<compile_context>
chip_gen: v7x
topology: tpu7x:2x2x1
jax: 0.10.2.dev20260603
libtpu: 0.0.44.dev20260713+nightly
codegen_flags: <defaults>
</compile_context>

<pallas_src>
import functools

import jax
import jax.numpy as jnp
from jax import lax
from jax.experimental import pallas as pl
from jax.experimental.pallas import tpu as pltpu
from jax.experimental.pallas import tpu_sc as plsc

NC = 2
NS = 16
NW = NC * NS
K = 128


def _slice_plan(rps):
    plan = []
    off = 0
    while off < rps:
        blk = min(K, rps - off)
        plan.append((off, blk))
        off += blk
    return plan


def _build_sc_kernel(n, d, g, npad):
    rps = npad // NS
    plan = _slice_plan(rps)

    mesh = plsc.VectorSubcoreMesh(core_axis_name="c", subcore_axis_name="s")

    @functools.partial(
        pl.kernel,
        mesh=mesh,
        out_type=[
            jax.ShapeDtypeStruct((NC, npad, d), jnp.float32),
            jax.ShapeDtypeStruct((NC, npad, 16), jnp.float32),
        ],
        scratch_types=[
            pltpu.VMEM((g, K), jnp.int32),
            pltpu.VMEM((g, K), jnp.int32),
            pltpu.VMEM((K, d), jnp.float32),
            pltpu.VMEM((K, 16), jnp.float32),
            pltpu.VMEM((K, 16), jnp.float32),
            pltpu.VMEM_SHARED((npad, d), jnp.float32),
            pltpu.VMEM_SHARED((npad, 16), jnp.float32),
            pltpu.SemaphoreType.DMA,
        ],
        compiler_params=pltpu.CompilerParams(use_tc_tiling_on_sc=False),
    )
    def sc_agg(x_hbm, src_hbm, dst_hbm, agg_out, deg_out,
               src_v, dst_v, rows_v, ones_v, deg_v, agg_sh, deg_sh, sem):
        c = lax.axis_index("c")
        s = lax.axis_index("s")
        wid = s * NC + c
        base = s * rps

        def zr(i, carry):
            def zc(j, carry2):
                rows_v[i, pl.ds(j * 16, 16)] = jnp.zeros((16,), jnp.float32)
                return carry2
            return lax.fori_loop(0, d // 16, zc, carry)
        lax.fori_loop(0, K, zr, 0)

        def zd(i, carry):
            deg_v[i, :] = jnp.zeros((16,), jnp.float32)
            ones_v[i, :] = jnp.ones((16,), jnp.float32)
            return carry
        lax.fori_loop(0, K, zd, 0)

        for off, blk in plan:
            pltpu.sync_copy(rows_v.at[pl.ds(0, blk)],
                            agg_sh.at[pl.ds(base + off, blk)])
            pltpu.sync_copy(deg_v.at[pl.ds(0, blk)],
                            deg_sh.at[pl.ds(base + off, blk)])
        plsc.subcore_barrier()

        pltpu.sync_copy(src_hbm.at[wid], src_v)
        pltpu.sync_copy(dst_hbm.at[wid], dst_v)

        def body(gi, carry):
            pltpu.async_copy(x_hbm.at[src_v.at[gi]], rows_v, sem).wait()
            pltpu.sync_copy(rows_v, agg_sh.at[dst_v.at[gi]], add=True)
            pltpu.sync_copy(ones_v, deg_sh.at[dst_v.at[gi]], add=True)
            return carry
        lax.fori_loop(0, g, body, 0)
        plsc.subcore_barrier()

        for off, blk in plan:
            pltpu.sync_copy(agg_sh.at[pl.ds(base + off, blk)],
                            rows_v.at[pl.ds(0, blk)])
            pltpu.sync_copy(rows_v.at[pl.ds(0, blk)],
                            agg_out.at[c, pl.ds(base + off, blk)])
            pltpu.sync_copy(deg_sh.at[pl.ds(base + off, blk)],
                            deg_v.at[pl.ds(0, blk)])
            pltpu.sync_copy(deg_v.at[pl.ds(0, blk)],
                            deg_out.at[c, pl.ds(base + off, blk)])

    return sc_agg


def _tc_finish(agg_parts, deg_parts, x, wl_t, wr_t, b2, rblock):
    n, d = x.shape

    def body(agg_ref, deg_ref, x_ref, wl_ref, wr_ref, b_ref, o_ref):
        a = agg_ref[0] + agg_ref[1]
        dg = jnp.maximum(deg_ref[0, :, 0:1] + deg_ref[1, :, 0:1], 1.0)
        mean = a / dg
        acc = jnp.dot(mean, wl_ref[...], preferred_element_type=jnp.float32)
        acc = acc + jnp.dot(x_ref[...], wr_ref[...],
                            preferred_element_type=jnp.float32)
        o_ref[...] = acc + b_ref[...]

    return pl.pallas_call(
        body,
        grid=(n // rblock,),
        in_specs=[
            pl.BlockSpec((NC, rblock, d), lambda i: (0, i, 0)),
            pl.BlockSpec((NC, rblock, 16), lambda i: (0, i, 0)),
            pl.BlockSpec((rblock, d), lambda i: (i, 0)),
            pl.BlockSpec((d, d), lambda i: (0, 0)),
            pl.BlockSpec((d, d), lambda i: (0, 0)),
            pl.BlockSpec((1, d), lambda i: (0, 0)),
        ],
        out_specs=pl.BlockSpec((rblock, d), lambda i: (i, 0)),
        out_shape=jax.ShapeDtypeStruct((n, d), jnp.float32),
    )(agg_parts, deg_parts, x, wl_t, wr_t, b2)


def kernel(x, edge_index, W_l, b_l, W_r):
    n, d = x.shape
    e = edge_index.shape[1]

    g = -(-e // (NW * K))
    e_pad = NW * g * K
    npad = -(-(n + 1) // NS) * NS

    src = edge_index[0]
    dst = edge_index[1]
    pad = e_pad - e
    if pad:
        src = jnp.concatenate([src, jnp.zeros((pad,), jnp.int32)])
        dst = jnp.concatenate([dst, jnp.full((pad,), n, jnp.int32)])
    src3d = src.reshape(NW, g, K)
    dst3d = dst.reshape(NW, g, K)

    sc_agg = _build_sc_kernel(n, d, g, npad)
    agg_parts, deg_parts = sc_agg(x, src3d, dst3d)

    rblock = 400 if n % 400 == 0 else 8
    return _tc_finish(agg_parts, deg_parts, x, W_l.T, W_r.T,
                      b_l.reshape(1, d), rblock)

# --- scband reference (transcript-rebuilt; emitter-appended) ---
"""Pipeline reference for scband-sage-90778428768717 (READ-ONLY COPY).

The authoritative reference and input builder live on the scoring server;
editing this copy changes nothing except your own understanding.
"""

import jax, jax.numpy as jnp
import numpy as np

N = 10000
E = 320000
D_IN = 128
D_OUT = 128

def setup_inputs(seed: int = 0) -> dict:
    key = jax.random.key(seed)
    k1, k2, k3, k4, k5 = jax.random.split(key, 5)
    x = jax.random.normal(k1, (N, D_IN), dtype=jnp.float32)
    edge_index = jax.random.randint(k2, (2, E), 0, N, dtype=jnp.int32)
    # SAGEConv parameters: lin_l (neighbor transform, with bias), lin_r (root transform, no bias)
    scale = 1.0 / np.sqrt(D_IN)
    W_l = jax.random.uniform(k3, (D_OUT, D_IN), dtype=jnp.float32, minval=-scale, maxval=scale)
    b_l = jax.random.uniform(k4, (D_OUT,), dtype=jnp.float32, minval=-scale, maxval=scale)
    W_r = jax.random.uniform(k5, (D_OUT, D_IN), dtype=jnp.float32, minval=-scale, maxval=scale)
    return {"x": x, "edge_index": edge_index, "W_l": W_l, "b_l": b_l, "W_r": W_r}

def reference(x, edge_index, W_l, b_l, W_r):
    # SAGEConv with mean aggregation, add_self_loops=False, root_weight=True.
    # Eval mode: dropout is identity, no loss branch.
    n = x.shape[0]
    src = edge_index[0]
    dst = edge_index[1]
    msgs = jnp.take(x, src, axis=0)                       # gather [E, D_IN]
    agg = jax.ops.segment_sum(msgs, dst, num_segments=n)  # scatter-add [N, D_IN]
    deg = jax.ops.segment_sum(jnp.ones((src.shape[0],), dtype=x.dtype), dst, num_segments=n)
    mean = agg / jnp.clip(deg, 1.0)[:, None]
    out = mean @ W_l.T + b_l + x @ W_r.T
    return out

if __name__ == "__main__":
    import jax
    _d = setup_inputs()
    print(jax.jit(kernel)(*tuple(_d.values())))

</pallas_src>

<mosaic_0001>
#map = affine_map<(d0, d1) -> (0, 0)>
#map1 = affine_map<(d0, d1) -> (0, 0, 0)>
module attributes {stable_mosaic.version = 14 : i64} {
  func.func @sc_agg(%arg0: i32, %arg1: i32, %arg2: memref<10000x128xf32, #tpu.memory_space<hbm>>, %arg3: memref<32x79x128xi32, #tpu.memory_space<hbm>>, %arg4: memref<32x79x128xi32, #tpu.memory_space<hbm>>, %arg5: memref<2x10016x128xf32, #tpu.memory_space<hbm>>, %arg6: memref<2x10016x16xf32, #tpu.memory_space<hbm>>, %arg7: memref<79x128xi32, #tpu.memory_space<vmem>>, %arg8: memref<79x128xi32, #tpu.memory_space<vmem>>, %arg9: memref<128x128xf32, #tpu.memory_space<vmem>>, %arg10: memref<128x16xf32, #tpu.memory_space<vmem>>, %arg11: memref<128x16xf32, #tpu.memory_space<vmem>>, %arg12: memref<10016x128xf32, #tpu.memory_space<vmem_shared>>, %arg13: memref<10016x16xf32, #tpu.memory_space<vmem_shared>>, %arg14: memref<!tpu.dma_semaphore, #tpu.memory_space<semaphore_mem>>) attributes {dimension_semantics = [#tpu.dimension_semantics<core_parallel>, #tpu.dimension_semantics<subcore_parallel>], iteration_bounds = array<i64: 2, 16>, scalar_prefetch = 0 : i64, scratch_operands = 8 : i64, tpu.core_type = #tpu.core_type<sc_vector_subcore>, window_params = [{transform_indices = #map}, {transform_indices = #map1}, {transform_indices = #map1}, {transform_indices = #map1}, {transform_indices = #map1}]} {
    %mul3A = arith.constant 2 : i32
    %mul3A_0 = arith.muli %arg1, %mul3A : i32
    %add3A = arith.addi %mul3A_0, %arg0 : i32
    %mul3A_1 = arith.constant 626 : i32
    %mul3A_2 = arith.muli %arg1, %mul3A_1 : i32
    %scan3A = arith.constant 0 : i32
    %scan3A_3 = arith.constant 0 : i32
    %scan3A_4 = arith.constant 128 : i32
    %scan3A_5 = arith.addi %scan3A_3, %scan3A_4 : i32
    %scan3A_6 = arith.constant 1 : i32
    scf.for %scan3A_81 = %scan3A_3 to %scan3A_5 step %scan3A_6  : i32 {
      %scan3A_82 = arith.constant 0 : i32
      %scan3A_83 = arith.constant 8 : i32
      %scan3A_84 = arith.addi %scan3A_82, %scan3A_83 : i32
      %scan3A_85 = arith.constant 1 : i32
      scf.for %scan3A_87 = %scan3A_82 to %scan3A_84 step %scan3A_85  : i32 {
        %broadcast_in_dim3A = arith.constant 0.000000e+00 : f32
        %broadcast_in_dim3A_88 = vector.broadcast %broadcast_in_dim3A : f32 to vector<16xf32>
        %mul3A_89 = arith.constant 16 : i32
        %mul3A_90 = arith.muli %scan3A_87, %mul3A_89 : i32
        %swap3A = arith.index_cast %scan3A_81 : i32 to index
        %swap3A_91 = arith.index_cast %mul3A_90 : i32 to index
        %swap3A_92 = tpu.vector_load %arg9[%swap3A, %swap3A_91] {strides = array<i32>} : memref<128x128xf32, #tpu.memory_space<vmem>>, vector<1x16xf32>,
        %swap3A_93 = vector.shape_cast %swap3A_92 : vector<1x16xf32> to vector<16xf32>
        %swap3A_94 = vector.shape_cast %broadcast_in_dim3A_88 : vector<16xf32> to vector<1x16xf32>
        tpu.vector_store %arg9[%swap3A, %swap3A_91], %swap3A_94 {strides = array<i32>} : memref<128x128xf32, #tpu.memory_space<vmem>>, vector<1x16xf32>,
      }
      %scan3A_86 = arith.constant 8 : i32
    }
    %scan3A_7 = arith.constant 128 : i32
    %scan3A_8 = arith.constant 0 : i32
    %scan3A_9 = arith.constant 0 : i32
    %scan3A_10 = arith.constant 128 : i32
    %scan3A_11 = arith.addi %scan3A_9, %scan3A_10 : i32
    %scan3A_12 = arith.constant 1 : i32
    scf.for %scan3A_81 = %scan3A_9 to %scan3A_11 step %scan3A_12  : i32 {
      %broadcast_in_dim3A = arith.constant 0.000000e+00 : f32
      %broadcast_in_dim3A_82 = vector.broadcast %broadcast_in_dim3A : f32 to vector<16xf32>
      %swap3A = arith.index_cast %scan3A_81 : i32 to index
      %swap3A_83 = arith.constant 0 : index
      %swap3A_84 = tpu.vector_load %arg11[%swap3A, %swap3A_83] {strides = array<i32>} : memref<128x16xf32, #tpu.memory_space<vmem>>, vector<1x16xf32>,
      %swap3A_85 = vector.shape_cast %swap3A_84 : vector<1x16xf32> to vector<16xf32>
      %swap3A_86 = vector.shape_cast %broadcast_in_dim3A_82 : vector<16xf32> to vector<1x16xf32>
      tpu.vector_store %arg11[%swap3A, %swap3A_83], %swap3A_86 {strides = array<i32>} : memref<128x16xf32, #tpu.memory_space<vmem>>, vector<1x16xf32>,
      %broadcast_in_dim3A_87 = arith.constant 1.000000e+00 : f32
      %broadcast_in_dim3A_88 = vector.broadcast %broadcast_in_dim3A_87 : f32 to vector<16xf32>
      %swap3A_89 = arith.index_cast %scan3A_81 : i32 to index
      %swap3A_90 = arith.constant 0 : index
      %swap3A_91 = tpu.vector_load %arg10[%swap3A_89, %swap3A_90] {strides = array<i32>} : memref<128x16xf32, #tpu.memory_space<vmem>>, vector<1x16xf32>,
      %swap3A_92 = vector.shape_cast %swap3A_91 : vector<1x16xf32> to vector<16xf32>
      %swap3A_93 = vector.shape_cast %broadcast_in_dim3A_88 : vector<16xf32> to vector<1x16xf32>
      tpu.vector_store %arg10[%swap3A_89, %swap3A_90], %swap3A_93 {strides = array<i32>} : memref<128x16xf32, #tpu.memory_space<vmem>>, vector<1x16xf32>,
    }
    %scan3A_13 = arith.constant 128 : i32
    %add3A_14 = arith.constant 0 : i32
    %add3A_15 = arith.addi %mul3A_2, %add3A_14 : i32
    "tpu.region"() ({
      %run_scoped3A = tpu.sem_alloc : memref<!tpu.dma_semaphore, #tpu.memory_space<semaphore_mem>>
      %dma_start3A = arith.constant 0 : i32
      %dma_start3A_81 = arith.constant 0 : i32
      %dma_start3A_82 = tpu.memref_slice %arg9[%dma_start3A, %dma_start3A_81] : memref<128x128xf32, #tpu.memory_space<vmem>> -> memref<128x128xf32, #tpu.memory_space<vmem>>
      %dma_start3A_83 = arith.constant 0 : i32
      %dma_start3A_84 = tpu.memref_slice %arg12[%add3A_15, %dma_start3A_83] : memref<10016x128xf32, #tpu.memory_space<vmem_shared>> -> memref<128x128xf32, #tpu.memory_space<vmem_shared>>
      %dma_start3A_85 = arith.constant 0 : i32
      %dma_start3A_86 = tpu.memref_slice %arg12[%add3A_15, %dma_start3A_85] : memref<10016x128xf32, #tpu.memory_space<vmem_shared>> -> memref<128x128xf32, #tpu.memory_space<vmem_shared>>
      %dma_start3A_87 = arith.constant 0 : i32
      %dma_start3A_88 = arith.constant 0 : i32
      %dma_start3A_89 = tpu.memref_slice %arg9[%dma_start3A_87, %dma_start3A_88] : memref<128x128xf32, #tpu.memory_space<vmem>> -> memref<128x128xf32, #tpu.memory_space<vmem>>
      tpu.enqueue_dma source(%dma_start3A_89 : memref<128x128xf32, #tpu.memory_space<vmem>>) target(%dma_start3A_86 : memref<128x128xf32, #tpu.memory_space<vmem_shared>>) target_semaphore(%run_scoped3A : memref<!tpu.dma_semaphore, #tpu.memory_space<semaphore_mem>>)
      %dma_wait3A = arith.constant 0 : i32
      %dma_wait3A_90 = arith.constant 0 : i32
      %dma_wait3A_91 = tpu.memref_slice %arg9[%dma_wait3A, %dma_wait3A_90] : memref<128x128xf32, #tpu.memory_space<vmem>> -> memref<128x128xf32, #tpu.memory_space<vmem>>
      %dma_wait3A_92 = arith.constant 0 : i32
      %dma_wait3A_93 = tpu.memref_slice %arg12[%add3A_15, %dma_wait3A_92] : memref<10016x128xf32, #tpu.memory_space<vmem_shared>> -> memref<128x128xf32, #tpu.memory_space<vmem_shared>>
      %dma_wait3A_94 = arith.constant 0 : i32
      %dma_wait3A_95 = tpu.memref_slice %arg12[%add3A_15, %dma_wait3A_94] : memref<10016x128xf32, #tpu.memory_space<vmem_shared>> -> memref<128x128xf32, #tpu.memory_space<vmem_shared>>
      %dma_wait3A_96 = arith.constant 0 : i32
      %dma_wait3A_97 = arith.constant 0 : i32
      %dma_wait3A_98 = tpu.memref_slice %arg9[%dma_wait3A_96, %dma_wait3A_97] : memref<128x128xf32, #tpu.memory_space<vmem>> -> memref<128x128xf32, #tpu.memory_space<vmem>>
      tpu.wait_dma2 semaphore(%run_scoped3A : memref<!tpu.dma_semaphore, #tpu.memory_space<semaphore_mem>>) src(%dma_wait3A_98 : memref<128x128xf32, #tpu.memory_space<vmem>>) dst(%dma_wait3A_95 : memref<128x128xf32, #tpu.memory_space<vmem_shared>>)
      tpu.yield
    }) : () -> ()
    %add3A_16 = arith.constant 0 : i32
    %add3A_17 = arith.addi %mul3A_2, %add3A_16 : i32
    "tpu.region"() ({
      %run_scoped3A = tpu.sem_alloc : memref<!tpu.dma_semaphore, #tpu.memory_space<semaphore_mem>>
      %dma_start3A = arith.constant 0 : i32
      %dma_start3A_81 = arith.constant 0 : i32
      %dma_start3A_82 = tpu.memref_slice %arg11[%dma_start3A, %dma_start3A_81] : memref<128x16xf32, #tpu.memory_space<vmem>> -> memref<128x16xf32, #tpu.memory_space<vmem>>
      %dma_start3A_83 = arith.constant 0 : i32
      %dma_start3A_84 = tpu.memref_slice %arg13[%add3A_17, %dma_start3A_83] : memref<10016x16xf32, #tpu.memory_space<vmem_shared>> -> memref<128x16xf32, #tpu.memory_space<vmem_shared>>
      %dma_start3A_85 = arith.constant 0 : i32
      %dma_start3A_86 = tpu.memref_slice %arg13[%add3A_17, %dma_start3A_85] : memref<10016x16xf32, #tpu.memory_space<vmem_shared>> -> memref<128x16xf32, #tpu.memory_space<vmem_shared>>
      %dma_start3A_87 = arith.constant 0 : i32
      %dma_start3A_88 = arith.constant 0 : i32
      %dma_start3A_89 = tpu.memref_slice %arg11[%dma_start3A_87, %dma_start3A_88] : memref<128x16xf32, #tpu.memory_space<vmem>> -> memref<128x16xf32, #tpu.memory_space<vmem>>
      tpu.enqueue_dma source(%dma_start3A_89 : memref<128x16xf32, #tpu.memory_space<vmem>>) target(%dma_start3A_86 : memref<128x16xf32, #tpu.memory_space<vmem_shared>>) target_semaphore(%run_scoped3A : memref<!tpu.dma_semaphore, #tpu.memory_space<semaphore_mem>>)
      %dma_wait3A = arith.constant 0 : i32
      %dma_wait3A_90 = arith.constant 0 : i32
      %dma_wait3A_91 = tpu.memref_slice %arg11[%dma_wait3A, %dma_wait3A_90] : memref<128x16xf32, #tpu.memory_space<vmem>> -> memref<128x16xf32, #tpu.memory_space<vmem>>
      %dma_wait3A_92 = arith.constant 0 : i32
      %dma_wait3A_93 = tpu.memref_slice %arg13[%add3A_17, %dma_wait3A_92] : memref<10016x16xf32, #tpu.memory_space<vmem_shared>> -> memref<128x16xf32, #tpu.memory_space<vmem_shared>>
      %dma_wait3A_94 = arith.constant 0 : i32
      %dma_wait3A_95 = tpu.memref_slice %arg13[%add3A_17, %dma_wait3A_94] : memref<10016x16xf32, #tpu.memory_space<vmem_shared>> -> memref<128x16xf32, #tpu.memory_space<vmem_shared>>
      %dma_wait3A_96 = arith.constant 0 : i32
      %dma_wait3A_97 = arith.constant 0 : i32
      %dma_wait3A_98 = tpu.memref_slice %arg11[%dma_wait3A_96, %dma_wait3A_97] : memref<128x16xf32, #tpu.memory_space<vmem>> -> memref<128x16xf32, #tpu.memory_space<vmem>>
      tpu.wait_dma2 semaphore(%run_scoped3A : memref<!tpu.dma_semaphore, #tpu.memory_space<semaphore_mem>>) src(%dma_wait3A_98 : memref<128x16xf32, #tpu.memory_space<vmem>>) dst(%dma_wait3A_95 : memref<128x16xf32, #tpu.memory_space<vmem_shared>>)
      tpu.yield
    }) : () -> ()
    %add3A_18 = arith.constant 128 : i32
    %add3A_19 = arith.addi %mul3A_2, %add3A_18 : i32
    "tpu.region"() ({
      %run_scoped3A = tpu.sem_alloc : memref<!tpu.dma_semaphore, #tpu.memory_space<semaphore_mem>>
      %dma_start3A = arith.constant 0 : i32
      %dma_start3A_81 = arith.constant 0 : i32
      %dma_start3A_82 = tpu.memref_slice %arg9[%dma_start3A, %dma_start3A_81] : memref<128x128xf32, #tpu.memory_space<vmem>> -> memref<128x128xf32, #tpu.memory_space<vmem>>
      %dma_start3A_83 = arith.constant 0 : i32
      %dma_start3A_84 = tpu.memref_slice %arg12[%add3A_19, %dma_start3A_83] : memref<10016x128xf32, #tpu.memory_space<vmem_shared>> -> memref<128x128xf32, #tpu.memory_space<vmem_shared>>
      %dma_start3A_85 = arith.constant 0 : i32
      %dma_start3A_86 = tpu.memref_slice %arg12[%add3A_19, %dma_start3A_85] : memref<10016x128xf32, #tpu.memory_space<vmem_shared>> -> memref<128x128xf32, #tpu.memory_space<vmem_shared>>
      %dma_start3A_87 = arith.constant 0 : i32
      %dma_start3A_88 = arith.constant 0 : i32
      %dma_start3A_89 = tpu.memref_slice %arg9[%dma_start3A_87, %dma_start3A_88] : memref<128x128xf32, #tpu.memory_space<vmem>> -> memref<128x128xf32, #tpu.memory_space<vmem>>
      tpu.enqueue_dma source(%dma_start3A_89 : memref<128x128xf32, #tpu.memory_space<vmem>>) target(%dma_start3A_86 : memref<128x128xf32, #tpu.memory_space<vmem_shared>>) target_semaphore(%run_scoped3A : memref<!tpu.dma_semaphore, #tpu.memory_space<semaphore_mem>>)
      %dma_wait3A = arith.constant 0 : i32
      %dma_wait3A_90 = arith.constant 0 : i32
      %dma_wait3A_91 = tpu.memref_slice %arg9[%dma_wait3A, %dma_wait3A_90] : memref<128x128xf32, #tpu.memory_space<vmem>> -> memref<128x128xf32, #tpu.memory_space<vmem>>
      %dma_wait3A_92 = arith.constant 0 : i32
      %dma_wait3A_93 = tpu.memref_slice %arg12[%add3A_19, %dma_wait3A_92] : memref<10016x128xf32, #tpu.memory_space<vmem_shared>> -> memref<128x128xf32, #tpu.memory_space<vmem_shared>>
      %dma_wait3A_94 = arith.constant 0 : i32
      %dma_wait3A_95 = tpu.memref_slice %arg12[%add3A_19, %dma_wait3A_94] : memref<10016x128xf32, #tpu.memory_space<vmem_shared>> -> memref<128x128xf32, #tpu.memory_space<vmem_shared>>
      %dma_wait3A_96 = arith.constant 0 : i32
      %dma_wait3A_97 = arith.constant 0 : i32
      %dma_wait3A_98 = tpu.memref_slice %arg9[%dma_wait3A_96, %dma_wait3A_97] : memref<128x128xf32, #tpu.memory_space<vmem>> -> memref<128x128xf32, #tpu.memory_space<vmem>>
      tpu.wait_dma2 semaphore(%run_scoped3A : memref<!tpu.dma_semaphore, #tpu.memory_space<semaphore_mem>>) src(%dma_wait3A_98 : memref<128x128xf32, #tpu.memory_space<vmem>>) dst(%dma_wait3A_95 : memref<128x128xf32, #tpu.memory_space<vmem_shared>>)
      tpu.yield
    }) : () -> ()
    %add3A_20 = arith.constant 128 : i32
    %add3A_21 = arith.addi %mul3A_2, %add3A_20 : i32
    "tpu.region"() ({
      %run_scoped3A = tpu.sem_alloc : memref<!tpu.dma_semaphore, #tpu.memory_space<semaphore_mem>>
      %dma_start3A = arith.constant 0 : i32
      %dma_start3A_81 = arith.constant 0 : i32
      %dma_start3A_82 = tpu.memref_slice %arg11[%dma_start3A, %dma_start3A_81] : memref<128x16xf32, #tpu.memory_space<vmem>> -> memref<128x16xf32, #tpu.memory_space<vmem>>
      %dma_start3A_83 = arith.constant 0 : i32
      %dma_start3A_84 = tpu.memref_slice %arg13[%add3A_21, %dma_start3A_83] : memref<10016x16xf32, #tpu.memory_space<vmem_shared>> -> memref<128x16xf32, #tpu.memory_space<vmem_shared>>
      %dma_start3A_85 = arith.constant 0 : i32
      %dma_start3A_86 = tpu.memref_slice %arg13[%add3A_21, %dma_start3A_85] : memref<10016x16xf32, #tpu.memory_space<vmem_shared>> -> memref<128x16xf32, #tpu.memory_space<vmem_shared>>
      %dma_start3A_87 = arith.constant 0 : i32
      %dma_start3A_88 = arith.constant 0 : i32
      %dma_start3A_89 = tpu.memref_slice %arg11[%dma_start3A_87, %dma_start3A_88] : memref<128x16xf32, #tpu.memory_space<vmem>> -> memref<128x16xf32, #tpu.memory_space<vmem>>
      tpu.enqueue_dma source(%dma_start3A_89 : memref<128x16xf32, #tpu.memory_space<vmem>>) target(%dma_start3A_86 : memref<128x16xf32, #tpu.memory_space<vmem_shared>>) target_semaphore(%run_scoped3A : memref<!tpu.dma_semaphore, #tpu.memory_space<semaphore_mem>>)
      %dma_wait3A = arith.constant 0 : i32
      %dma_wait3A_90 = arith.constant 0 : i32
      %dma_wait3A_91 = tpu.memref_slice %arg11[%dma_wait3A, %dma_wait3A_90] : memref<128x16xf32, #tpu.memory_space<vmem>> -> memref<128x16xf32, #tpu.memory_space<vmem>>
      %dma_wait3A_92 = arith.constant 0 : i32
      %dma_wait3A_93 = tpu.memref_slice %arg13[%add3A_21, %dma_wait3A_92] : memref<10016x16xf32, #tpu.memory_space<vmem_shared>> -> memref<128x16xf32, #tpu.memory_space<vmem_shared>>
      %dma_wait3A_94 = arith.constant 0 : i32
      %dma_wait3A_95 = tpu.memref_slice %arg13[%add3A_21, %dma_wait3A_94] : memref<10016x16xf32, #tpu.memory_space<vmem_shared>> -> memref<128x16xf32, #tpu.memory_space<vmem_shared>>
      %dma_wait3A_96 = arith.constant 0 : i32
      %dma_wait3A_97 = arith.constant 0 : i32
      %dma_wait3A_98 = tpu.memref_slice %arg11[%dma_wait3A_96, %dma_wait3A_97] : memref<128x16xf32, #tpu.memory_space<vmem>> -> memref<128x16xf32, #tpu.memory_space<vmem>>
      tpu.wait_dma2 semaphore(%run_scoped3A : memref<!tpu.dma_semaphore, #tpu.memory_space<semaphore_mem>>) src(%dma_wait3A_98 : memref<128x16xf32, #tpu.memory_space<vmem>>) dst(%dma_wait3A_95 : memref<128x16xf32, #tpu.memory_space<vmem_shared>>)
      tpu.yield
    }) : () -> ()
    %add3A_22 = arith.constant 256 : i32
    %add3A_23 = arith.addi %mul3A_2, %add3A_22 : i32
    "tpu.region"() ({
      %run_scoped3A = tpu.sem_alloc : memref<!tpu.dma_semaphore, #tpu.memory_space<semaphore_mem>>
      %dma_start3A = arith.constant 0 : i32
      %dma_start3A_81 = arith.constant 0 : i32
      %dma_start3A_82 = tpu.memref_slice %arg9[%dma_start3A, %dma_start3A_81] : memref<128x128xf32, #tpu.memory_space<vmem>> -> memref<128x128xf32, #tpu.memory_space<vmem>>
      %dma_start3A_83 = arith.constant 0 : i32
      %dma_start3A_84 = tpu.memref_slice %arg12[%add3A_23, %dma_start3A_83] : memref<10016x128xf32, #tpu.memory_space<vmem_shared>> -> memref<128x128xf32, #tpu.memory_space<vmem_shared>>
      %dma_start3A_85 = arith.constant 0 : i32
      %dma_start3A_86 = tpu.memref_slice %arg12[%add3A_23, %dma_start3A_85] : memref<10016x128xf32, #tpu.memory_space<vmem_shared>> -> memref<128x128xf32, #tpu.memory_space<vmem_shared>>
      %dma_start3A_87 = arith.constant 0 : i32
      %dma_start3A_88 = arith.constant 0 : i32
      %dma_start3A_89 = tpu.memref_slice %arg9[%dma_start3A_87, %dma_start3A_88] : memref<128x128xf32, #tpu.memory_space<vmem>> -> memref<128x128xf32, #tpu.memory_space<vmem>>
      tpu.enqueue_dma source(%dma_start3A_89 : memref<128x128xf32, #tpu.memory_space<vmem>>) target(%dma_start3A_86 : memref<128x128xf32, #tpu.memory_space<vmem_shared>>) target_semaphore(%run_scoped3A : memref<!tpu.dma_semaphore, #tpu.memory_space<semaphore_mem>>)
      %dma_wait3A = arith.constant 0 : i32
      %dma_wait3A_90 = arith.constant 0 : i32
      %dma_wait3A_91 = tpu.memref_slice %arg9[%dma_wait3A, %dma_wait3A_90] : memref<128x128xf32, #tpu.memory_space<vmem>> -> memref<128x128xf32, #tpu.memory_space<vmem>>
      %dma_wait3A_92 = arith.constant 0 : i32
      %dma_wait3A_93 = tpu.memref_slice %arg12[%add3A_23, %dma_wait3A_92] : memref<10016x128xf32, #tpu.memory_space<vmem_shared>> -> memref<128x128xf32, #tpu.memory_space<vmem_shared>>
      %dma_wait3A_94 = arith.constant 0 : i32
      %dma_wait3A_95 = tpu.memref_slice %arg12[%add3A_23, %dma_wait3A_94] : memref<10016x128xf32, #tpu.memory_space<vmem_shared>> -> memref<128x128xf32, #tpu.memory_space<vmem_shared>>
      %dma_wait3A_96 = arith.constant 0 : i32
      %dma_wait3A_97 = arith.constant 0 : i32
      %dma_wait3A_98 = tpu.memref_slice %arg9[%dma_wait3A_96, %dma_wait3A_97] : memref<128x128xf32, #tpu.memory_space<vmem>> -> memref<128x128xf32, #tpu.memory_space<vmem>>
      tpu.wait_dma2 semaphore(%run_scoped3A : memref<!tpu.dma_semaphore, #tpu.memory_space<semaphore_mem>>) src(%dma_wait3A_98 : memref<128x128xf32, #tpu.memory_space<vmem>>) dst(%dma_wait3A_95 : memref<128x128xf32, #tpu.memory_space<vmem_shared>>)
      tpu.yield
    }) : () -> ()
    %add3A_24 = arith.constant 256 : i32
    %add3A_25 = arith.addi %mul3A_2, %add3A_24 : i32
    "tpu.region"() ({
      %run_scoped3A = tpu.sem_alloc : memref<!tpu.dma_semaphore, #tpu.memory_space<semaphore_mem>>
      %dma_start3A = arith.constant 0 : i32
      %dma_start3A_81 = arith.constant 0 : i32
      %dma_start3A_82 = tpu.memref_slice %arg11[%dma_start3A, %dma_start3A_81] : memref<128x16xf32, #tpu.memory_space<vmem>> -> memref<128x16xf32, #tpu.memory_space<vmem>>
      %dma_start3A_83 = arith.constant 0 : i32
      %dma_start3A_84 = tpu.memref_slice %arg13[%add3A_25, %dma_start3A_83] : memref<10016x16xf32, #tpu.memory_space<vmem_shared>> -> memref<128x16xf32, #tpu.memory_space<vmem_shared>>
      %dma_start3A_85 = arith.constant 0 : i32
      %dma_start3A_86 = tpu.memref_slice %arg13[%add3A_25, %dma_start3A_85] : memref<10016x16xf32, #tpu.memory_space<vmem_shared>> -> memref<128x16xf32, #tpu.memory_space<vmem_shared>>
      %dma_start3A_87 = arith.constant 0 : i32
      %dma_start3A_88 = arith.constant 0 : i32
      %dma_start3A_89 = tpu.memref_slice %arg11[%dma_start3A_87, %dma_start3A_88] : memref<128x16xf32, #tpu.memory_space<vmem>> -> memref<128x16xf32, #tpu.memory_space<vmem>>
      tpu.enqueue_dma source(%dma_start3A_89 : memref<128x16xf32, #tpu.memory_space<vmem>>) target(%dma_start3A_86 : memref<128x16xf32, #tpu.memory_space<vmem_shared>>) target_semaphore(%run_scoped3A : memref<!tpu.dma_semaphore, #tpu.memory_space<semaphore_mem>>)
      %dma_wait3A = arith.constant 0 : i32
      %dma_wait3A_90 = arith.constant 0 : i32
      %dma_wait3A_91 = tpu.memref_slice %arg11[%dma_wait3A, %dma_wait3A_90] : memref<128x16xf32, #tpu.memory_space<vmem>> -> memref<128x16xf32, #tpu.memory_space<vmem>>
      %dma_wait3A_92 = arith.constant 0 : i32
      %dma_wait3A_93 = tpu.memref_slice %arg13[%add3A_25, %dma_wait3A_92] : memref<10016x16xf32, #tpu.memory_space<vmem_shared>> -> memref<128x16xf32, #tpu.memory_space<vmem_shared>>
      %dma_wait3A_94 = arith.constant 0 : i32
      %dma_wait3A_95 = tpu.memref_slice %arg13[%add3A_25, %dma_wait3A_94] : memref<10016x16xf32, #tpu.memory_space<vmem_shared>> -> memref<128x16xf32, #tpu.memory_space<vmem_shared>>
      %dma_wait3A_96 = arith.constant 0 : i32
      %dma_wait3A_97 = arith.constant 0 : i32
      %dma_wait3A_98 = tpu.memref_slice %arg11[%dma_wait3A_96, %dma_wait3A_97] : memref<128x16xf32, #tpu.memory_space<vmem>> -> memref<128x16xf32, #tpu.memory_space<vmem>>
      tpu.wait_dma2 semaphore(%run_scoped3A : memref<!tpu.dma_semaphore, #tpu.memory_space<semaphore_mem>>) src(%dma_wait3A_98 : memref<128x16xf32, #tpu.memory_space<vmem>>) dst(%dma_wait3A_95 : memref<128x16xf32, #tpu.memory_space<vmem_shared>>)
      tpu.yield
    }) : () -> ()
    %add3A_26 = arith.constant 384 : i32
    %add3A_27 = arith.addi %mul3A_2, %add3A_26 : i32
    "tpu.region"() ({
      %run_scoped3A = tpu.sem_alloc : memref<!tpu.dma_semaphore, #tpu.memory_space<semaphore_mem>>
      %dma_start3A = arith.constant 0 : i32
      %dma_start3A_81 = arith.constant 0 : i32
      %dma_start3A_82 = tpu.memref_slice %arg9[%dma_start3A, %dma_start3A_81] : memref<128x128xf32, #tpu.memory_space<vmem>> -> memref<128x128xf32, #tpu.memory_space<vmem>>
      %dma_start3A_83 = arith.constant 0 : i32
      %dma_start3A_84 = tpu.memref_slice %arg12[%add3A_27, %dma_start3A_83] : memref<10016x128xf32, #tpu.memory_space<vmem_shared>> -> memref<128x128xf32, #tpu.memory_space<vmem_shared>>
      %dma_start3A_85 = arith.constant 0 : i32
      %dma_start3A_86 = tpu.memref_slice %arg12[%add3A_27, %dma_start3A_85] : memref<10016x128xf32, #tpu.memory_space<vmem_shared>> -> memref<128x128xf32, #tpu.memory_space<vmem_shared>>
      %dma_start3A_87 = arith.constant 0 : i32
      %dma_start3A_88 = arith.constant 0 : i32
      %dma_start3A_89 = tpu.memref_slice %arg9[%dma_start3A_87, %dma_start3A_88] : memref<128x128xf32, #tpu.memory_space<vmem>> -> memref<128x128xf32, #tpu.memory_space<vmem>>
      tpu.enqueue_dma source(%dma_start3A_89 : memref<128x128xf32, #tpu.memory_space<vmem>>) target(%dma_start3A_86 : memref<128x128xf32, #tpu.memory_space<vmem_shared>>) target_semaphore(%run_scoped3A : memref<!tpu.dma_semaphore, #tpu.memory_space<semaphore_mem>>)
      %dma_wait3A = arith.constant 0 : i32
      %dma_wait3A_90 = arith.constant 0 : i32
      %dma_wait3A_91 = tpu.memref_slice %arg9[%dma_wait3A, %dma_wait3A_90] : memref<128x128xf32, #tpu.memory_space<vmem>> -> memref<128x128xf32, #tpu.memory_space<vmem>>
      %dma_wait3A_92 = arith.constant 0 : i32
      %dma_wait3A_93 = tpu.memref_slice %arg12[%add3A_27, %dma_wait3A_92] : memref<10016x128xf32, #tpu.memory_space<vmem_shared>> -> memref<128x128xf32, #tpu.memory_space<vmem_shared>>
      %dma_wait3A_94 = arith.constant 0 : i32
      %dma_wait3A_95 = tpu.memref_slice %arg12[%add3A_27, %dma_wait3A_94] : memref<10016x128xf32, #tpu.memory_space<vmem_shared>> -> memref<128x128xf32, #tpu.memory_space<vmem_shared>>
      %dma_wait3A_96 = arith.constant 0 : i32
      %dma_wait3A_97 = arith.constant 0 : i32
      %dma_wait3A_98 = tpu.memref_slice %arg9[%dma_wait3A_96, %dma_wait3A_97] : memref<128x128xf32, #tpu.memory_space<vmem>> -> memref<128x128xf32, #tpu.memory_space<vmem>>
      tpu.wait_dma2 semaphore(%run_scoped3A : memref<!tpu.dma_semaphore, #tpu.memory_space<semaphore_mem>>) src(%dma_wait3A_98 : memref<128x128xf32, #tpu.memory_space<vmem>>) dst(%dma_wait3A_95 : memref<128x128xf32, #tpu.memory_space<vmem_shared>>)
      tpu.yield
    }) : () -> ()
    %add3A_28 = arith.constant 384 : i32
    %add3A_29 = arith.addi %mul3A_2, %add3A_28 : i32
    "tpu.region"() ({
      %run_scoped3A = tpu.sem_alloc : memref<!tpu.dma_semaphore, #tpu.memory_space<semaphore_mem>>
      %dma_start3A = arith.constant 0 : i32
      %dma_start3A_81 = arith.constant 0 : i32
      %dma_start3A_82 = tpu.memref_slice %arg11[%dma_start3A, %dma_start3A_81] : memref<128x16xf32, #tpu.memory_space<vmem>> -> memref<128x16xf32, #tpu.memory_space<vmem>>
      %dma_start3A_83 = arith.constant 0 : i32
      %dma_start3A_84 = tpu.memref_slice %arg13[%add3A_29, %dma_start3A_83] : memref<10016x16xf32, #tpu.memory_space<vmem_shared>> -> memref<128x16xf32, #tpu.memory_space<vmem_shared>>
      %dma_start3A_85 = arith.constant 0 : i32
      %dma_start3A_86 = tpu.memref_slice %arg13[%add3A_29, %dma_start3A_85] : memref<10016x16xf32, #tpu.memory_space<vmem_shared>> -> memref<128x16xf32, #tpu.memory_space<vmem_shared>>
      %dma_start3A_87 = arith.constant 0 : i32
      %dma_start3A_88 = arith.constant 0 : i32
      %dma_start3A_89 = tpu.memref_slice %arg11[%dma_start3A_87, %dma_start3A_88] : memref<128x16xf32, #tpu.memory_space<vmem>> -> memref<128x16xf32, #tpu.memory_space<vmem>>
      tpu.enqueue_dma source(%dma_start3A_89 : memref<128x16xf32, #tpu.memory_space<vmem>>) target(%dma_start3A_86 : memref<128x16xf32, #tpu.memory_space<vmem_shared>>) target_semaphore(%run_scoped3A : memref<!tpu.dma_semaphore, #tpu.memory_space<semaphore_mem>>)
      %dma_wait3A = arith.constant 0 : i32
      %dma_wait3A_90 = arith.constant 0 : i32
      %dma_wait3A_91 = tpu.memref_slice %arg11[%dma_wait3A, %dma_wait3A_90] : memref<128x16xf32, #tpu.memory_space<vmem>> -> memref<128x16xf32, #tpu.memory_space<vmem>>
      %dma_wait3A_92 = arith.constant 0 : i32
      %dma_wait3A_93 = tpu.memref_slice %arg13[%add3A_29, %dma_wait3A_92] : memref<10016x16xf32, #tpu.memory_space<vmem_shared>> -> memref<128x16xf32, #tpu.memory_space<vmem_shared>>
      %dma_wait3A_94 = arith.constant 0 : i32
      %dma_wait3A_95 = tpu.memref_slice %arg13[%add3A_29, %dma_wait3A_94] : memref<10016x16xf32, #tpu.memory_space<vmem_shared>> -> memref<128x16xf32, #tpu.memory_space<vmem_shared>>
      %dma_wait3A_96 = arith.constant 0 : i32
      %dma_wait3A_97 = arith.constant 0 : i32
      %dma_wait3A_98 = tpu.memref_slice %arg11[%dma_wait3A_96, %dma_wait3A_97] : memref<128x16xf32, #tpu.memory_space<vmem>> -> memref<128x16xf32, #tpu.memory_space<vmem>>
      tpu.wait_dma2 semaphore(%run_scoped3A : memref<!tpu.dma_semaphore, #tpu.memory_space<semaphore_mem>>) src(%dma_wait3A_98 : memref<128x16xf32, #tpu.memory_space<vmem>>) dst(%dma_wait3A_95 : memref<128x16xf32, #tpu.memory_space<vmem_shared>>)
      tpu.yield
    }) : () -> ()
    %add3A_30 = arith.constant 512 : i32
    %add3A_31 = arith.addi %mul3A_2, %add3A_30 : i32
    "tpu.region"() ({
      %run_scoped3A = tpu.sem_alloc : memref<!tpu.dma_semaphore, #tpu.memory_space<semaphore_mem>>
      %dma_start3A = arith.constant 0 : i32
      %dma_start3A_81 = arith.constant 0 : i32
      %dma_start3A_82 = tpu.memref_slice %arg9[%dma_start3A, %dma_start3A_81] : memref<128x128xf32, #tpu.memory_space<vmem>> -> memref<114x128xf32, #tpu.memory_space<vmem>>
      %dma_start3A_83 = arith.constant 0 : i32
      %dma_start3A_84 = tpu.memref_slice %arg12[%add3A_31, %dma_start3A_83] : memref<10016x128xf32, #tpu.memory_space<vmem_shared>> -> memref<114x128xf32, #tpu.memory_space<vmem_shared>>
      %dma_start3A_85 = arith.constant 0 : i32
      %dma_start3A_86 = tpu.memref_slice %arg12[%add3A_31, %dma_start3A_85] : memref<10016x128xf32, #tpu.memory_space<vmem_shared>> -> memref<114x128xf32, #tpu.memory_space<vmem_shared>>
      %dma_start3A_87 = arith.constant 0 : i32
      %dma_start3A_88 = arith.constant 0 : i32
      %dma_start3A_89 = tpu.memref_slice %arg9[%dma_start3A_87, %dma_start3A_88] : memref<128x128xf32, #tpu.memory_space<vmem>> -> memref<114x128xf32, #tpu.memory_space<vmem>>
      tpu.enqueue_dma source(%dma_start3A_89 : memref<114x128xf32, #tpu.memory_space<vmem>>) target(%dma_start3A_86 : memref<114x128xf32, #tpu.memory_space<vmem_shared>>) target_semaphore(%run_scoped3A : memref<!tpu.dma_semaphore, #tpu.memory_space<semaphore_mem>>)
      %dma_wait3A = arith.constant 0 : i32
      %dma_wait3A_90 = arith.constant 0 : i32
      %dma_wait3A_91 = tpu.memref_slice %arg9[%dma_wait3A, %dma_wait3A_90] : memref<128x128xf32, #tpu.memory_space<vmem>> -> memref<114x128xf32, #tpu.memory_space<vmem>>
      %dma_wait3A_92 = arith.constant 0 : i32
      %dma_wait3A_93 = tpu.memref_slice %arg12[%add3A_31, %dma_wait3A_92] : memref<10016x128xf32, #tpu.memory_space<vmem_shared>> -> memref<114x128xf32, #tpu.memory_space<vmem_shared>>
      %dma_wait3A_94 = arith.constant 0 : i32
      %dma_wait3A_95 = tpu.memref_slice %arg12[%add3A_31, %dma_wait3A_94] : memref<10016x128xf32, #tpu.memory_space<vmem_shared>> -> memref<114x128xf32, #tpu.memory_space<vmem_shared>>
      %dma_wait3A_96 = arith.constant 0 : i32
      %dma_wait3A_97 = arith.constant 0 : i32
      %dma_wait3A_98 = tpu.memref_slice %arg9[%dma_wait3A_96, %dma_wait3A_97] : memref<128x128xf32, #tpu.memory_space<vmem>> -> memref<114x128xf32, #tpu.memory_space<vmem>>
      tpu.wait_dma2 semaphore(%run_scoped3A : memref<!tpu.dma_semaphore, #tpu.memory_space<semaphore_mem>>) src(%dma_wait3A_98 : memref<114x128xf32, #tpu.memory_space<vmem>>) dst(%dma_wait3A_95 : memref<114x128xf32, #tpu.memory_space<vmem_shared>>)
      tpu.yield
    }) : () -> ()
    %add3A_32 = arith.constant 512 : i32
    %add3A_33 = arith.addi %mul3A_2, %add3A_32 : i32
    "tpu.region"() ({
      %run_scoped3A = tpu.sem_alloc : memref<!tpu.dma_semaphore, #tpu.memory_space<semaphore_mem>>
      %dma_start3A = arith.constant 0 : i32
      %dma_start3A_81 = arith.constant 0 : i32
      %dma_start3A_82 = tpu.memref_slice %arg11[%dma_start3A, %dma_start3A_81] : memref<128x16xf32, #tpu.memory_space<vmem>> -> memref<114x16xf32, #tpu.memory_space<vmem>>
      %dma_start3A_83 = arith.constant 0 : i32
      %dma_start3A_84 = tpu.memref_slice %arg13[%add3A_33, %dma_start3A_83] : memref<10016x16xf32, #tpu.memory_space<vmem_shared>> -> memref<114x16xf32, #tpu.memory_space<vmem_shared>>
      %dma_start3A_85 = arith.constant 0 : i32
      %dma_start3A_86 = tpu.memref_slice %arg13[%add3A_33, %dma_start3A_85] : memref<10016x16xf32, #tpu.memory_space<vmem_shared>> -> memref<114x16xf32, #tpu.memory_space<vmem_shared>>
      %dma_start3A_87 = arith.constant 0 : i32
      %dma_start3A_88 = arith.constant 0 : i32
      %dma_start3A_89 = tpu.memref_slice %arg11[%dma_start3A_87, %dma_start3A_88] : memref<128x16xf32, #tpu.memory_space<vmem>> -> memref<114x16xf32, #tpu.memory_space<vmem>>
      tpu.enqueue_dma source(%dma_start3A_89 : memref<114x16xf32, #tpu.memory_space<vmem>>) target(%dma_start3A_86 : memref<114x16xf32, #tpu.memory_space<vmem_shared>>) target_semaphore(%run_scoped3A : memref<!tpu.dma_semaphore, #tpu.memory_space<semaphore_mem>>)
      %dma_wait3A = arith.constant 0 : i32
      %dma_wait3A_90 = arith.constant 0 : i32
      %dma_wait3A_91 = tpu.memref_slice %arg11[%dma_wait3A, %dma_wait3A_90] : memref<128x16xf32, #tpu.memory_space<vmem>> -> memref<114x16xf32, #tpu.memory_space<vmem>>
      %dma_wait3A_92 = arith.constant 0 : i32
      %dma_wait3A_93 = tpu.memref_slice %arg13[%add3A_33, %dma_wait3A_92] : memref<10016x16xf32, #tpu.memory_space<vmem_shared>> -> memref<114x16xf32, #tpu.memory_space<vmem_shared>>
      %dma_wait3A_94 = arith.constant 0 : i32
      %dma_wait3A_95 = tpu.memref_slice %arg13[%add3A_33, %dma_wait3A_94] : memref<10016x16xf32, #tpu.memory_space<vmem_shared>> -> memref<114x16xf32, #tpu.memory_space<vmem_shared>>
      %dma_wait3A_96 = arith.constant 0 : i32
      %dma_wait3A_97 = arith.constant 0 : i32
      %dma_wait3A_98 = tpu.memref_slice %arg11[%dma_wait3A_96, %dma_wait3A_97] : memref<128x16xf32, #tpu.memory_space<vmem>> -> memref<114x16xf32, #tpu.memory_space<vmem>>
      tpu.wait_dma2 semaphore(%run_scoped3A : memref<!tpu.dma_semaphore, #tpu.memory_space<semaphore_mem>>) src(%dma_wait3A_98 : memref<114x16xf32, #tpu.memory_space<vmem>>) dst(%dma_wait3A_95 : memref<114x16xf32, #tpu.memory_space<vmem_shared>>)
      tpu.yield
    }) : () -> ()
    %barrier3A = arith.constant 0 : index
    tpu.barrier barrier_id(%barrier3A)
    "tpu.region"() ({
      %run_scoped3A = tpu.sem_alloc : memref<!tpu.dma_semaphore, #tpu.memory_space<semaphore_mem>>
      %dma_start3A = arith.constant 0 : i32
      %dma_start3A_81 = arith.constant 0 : i32
      %dma_start3A_82 = tpu.memref_slice %arg3[%add3A, %dma_start3A, %dma_start3A_81] : memref<32x79x128xi32, #tpu.memory_space<hbm>> -> memref<1x79x128xi32, #tpu.memory_space<hbm>>
      %dma_start3A_83 = tpu.memref_squeeze %dma_start3A_82 : memref<1x79x128xi32, #tpu.memory_space<hbm>> -> memref<79x128xi32, #tpu.memory_space<hbm>>
      %dma_start3A_84 = arith.constant 0 : i32
      %dma_start3A_85 = arith.constant 0 : i32
      %dma_start3A_86 = tpu.memref_slice %arg3[%add3A, %dma_start3A_84, %dma_start3A_85] : memref<32x79x128xi32, #tpu.memory_space<hbm>> -> memref<1x79x128xi32, #tpu.memory_space<hbm>>
      %dma_start3A_87 = tpu.memref_squeeze %dma_start3A_86 : memref<1x79x128xi32, #tpu.memory_space<hbm>> -> memref<79x128xi32, #tpu.memory_space<hbm>>
      tpu.enqueue_dma source(%dma_start3A_87 : memref<79x128xi32, #tpu.memory_space<hbm>>) target(%arg7 : memref<79x128xi32, #tpu.memory_space<vmem>>) target_semaphore(%run_scoped3A : memref<!tpu.dma_semaphore, #tpu.memory_space<semaphore_mem>>)
      %dma_wait3A = arith.constant 0 : i32
      %dma_wait3A_88 = arith.constant 0 : i32
      %dma_wait3A_89 = tpu.memref_slice %arg3[%add3A, %dma_wait3A, %dma_wait3A_88] : memref<32x79x128xi32, #tpu.memory_space<hbm>> -> memref<1x79x128xi32, #tpu.memory_space<hbm>>
      %dma_wait3A_90 = tpu.memref_squeeze %dma_wait3A_89 : memref<1x79x128xi32, #tpu.memory_space<hbm>> -> memref<79x128xi32, #tpu.memory_space<hbm>>
      %dma_wait3A_91 = arith.constant 0 : i32
      %dma_wait3A_92 = arith.constant 0 : i32
      %dma_wait3A_93 = tpu.memref_slice %arg3[%add3A, %dma_wait3A_91, %dma_wait3A_92] : memref<32x79x128xi32, #tpu.memory_space<hbm>> -> memref<1x79x128xi32, #tpu.memory_space<hbm>>
      %dma_wait3A_94 = tpu.memref_squeeze %dma_wait3A_93 : memref<1x79x128xi32, #tpu.memory_space<hbm>> -> memref<79x128xi32, #tpu.memory_space<hbm>>
      tpu.wait_dma2 semaphore(%run_scoped3A : memref<!tpu.dma_semaphore, #tpu.memory_space<semaphore_mem>>) src(%dma_wait3A_94 : memref<79x128xi32, #tpu.memory_space<hbm>>) dst(%arg7 : memref<79x128xi32, #tpu.memory_space<vmem>>)
      tpu.yield
    }) : () -> ()
    "tpu.region"() ({
      %run_scoped3A = tpu.sem_alloc : memref<!tpu.dma_semaphore, #tpu.memory_space<semaphore_mem>>
      %dma_start3A = arith.constant 0 : i32
      %dma_start3A_81 = arith.constant 0 : i32
      %dma_start3A_82 = tpu.memref_slice %arg4[%add3A, %dma_start3A, %dma_start3A_81] : memref<32x79x128xi32, #tpu.memory_space<hbm>> -> memref<1x79x128xi32, #tpu.memory_space<hbm>>
      %dma_start3A_83 = tpu.memref_squeeze %dma_start3A_82 : memref<1x79x128xi32, #tpu.memory_space<hbm>> -> memref<79x128xi32, #tpu.memory_space<hbm>>
      %dma_start3A_84 = arith.constant 0 : i32
      %dma_start3A_85 = arith.constant 0 : i32
      %dma_start3A_86 = tpu.memref_slice %arg4[%add3A, %dma_start3A_84, %dma_start3A_85] : memref<32x79x128xi32, #tpu.memory_space<hbm>> -> memref<1x79x128xi32, #tpu.memory_space<hbm>>
      %dma_start3A_87 = tpu.memref_squeeze %dma_start3A_86 : memref<1x79x128xi32, #tpu.memory_space<hbm>> -> memref<79x128xi32, #tpu.memory_space<hbm>>
      tpu.enqueue_dma source(%dma_start3A_87 : memref<79x128xi32, #tpu.memory_space<hbm>>) target(%arg8 : memref<79x128xi32, #tpu.memory_space<vmem>>) target_semaphore(%run_scoped3A : memref<!tpu.dma_semaphore, #tpu.memory_space<semaphore_mem>>)
      %dma_wait3A = arith.constant 0 : i32
      %dma_wait3A_88 = arith.constant 0 : i32
      %dma_wait3A_89 = tpu.memref_slice %arg4[%add3A, %dma_wait3A, %dma_wait3A_88] : memref<32x79x128xi32, #tpu.memory_space<hbm>> -> memref<1x79x128xi32, #tpu.memory_space<hbm>>
      %dma_wait3A_90 = tpu.memref_squeeze %dma_wait3A_89 : memref<1x79x128xi32, #tpu.memory_space<hbm>> -> memref<79x128xi32, #tpu.memory_space<hbm>>
      %dma_wait3A_91 = arith.constant 0 : i32
      %dma_wait3A_92 = arith.constant 0 : i32
      %dma_wait3A_93 = tpu.memref_slice %arg4[%add3A, %dma_wait3A_91, %dma_wait3A_92] : memref<32x79x128xi32, #tpu.memory_space<hbm>> -> memref<1x79x128xi32, #tpu.memory_space<hbm>>
      %dma_wait3A_94 = tpu.memref_squeeze %dma_wait3A_93 : memref<1x79x128xi32, #tpu.memory_space<hbm>> -> memref<79x128xi32, #tpu.memory_space<hbm>>
      tpu.wait_dma2 semaphore(%run_scoped3A : memref<!tpu.dma_semaphore, #tpu.memory_space<semaphore_mem>>) src(%dma_wait3A_94 : memref<79x128xi32, #tpu.memory_space<hbm>>) dst(%arg8 : memref<79x128xi32, #tpu.memory_space<vmem>>)
      tpu.yield
    }) : () -> ()
    %scan3A_34 = arith.constant 0 : i32
    %scan3A_35 = arith.constant 0 : i32
    %scan3A_36 = arith.constant 79 : i32
    %scan3A_37 = arith.addi %scan3A_35, %scan3A_36 : i32
    %scan3A_38 = arith.constant 1 : i32
    scf.for %scan3A_81 = %scan3A_35 to %scan3A_37 step %scan3A_38  : i32 {
      %dma_start3A = arith.constant 0 : i32
      %dma_start3A_82 = tpu.memref_slice %arg7[%scan3A_81, %dma_start3A] : memref<79x128xi32, #tpu.memory_space<vmem>> -> memref<1x128xi32, #tpu.memory_space<vmem>>
      %dma_start3A_83 = tpu.memref_squeeze %dma_start3A_82 : memref<1x128xi32, #tpu.memory_space<vmem>> -> memref<128xi32, #tpu.memory_space<vmem>>
      %dma_start3A_84 = arith.constant 0 : i32
      %dma_start3A_85 = arith.constant 0 : i32
      %dma_start3A_86 = tpu.memref_slice %arg2[%dma_start3A_84, %dma_start3A_85] : memref<10000x128xf32, #tpu.memory_space<hbm>> -> memref<10000x128xf32, #tpu.memory_space<hbm>>
      tpu.enqueue_indirect_dma source(%dma_start3A_86 : memref<10000x128xf32, #tpu.memory_space<hbm>>) target(%arg9 : memref<128x128xf32, #tpu.memory_space<vmem>>) offsets(%dma_start3A_83 : memref<128xi32, #tpu.memory_space<vmem>>) semaphore(%arg14 : memref<!tpu.dma_semaphore, #tpu.memory_space<semaphore_mem>>)
      %dma_wait3A = arith.constant 0 : i32
      %dma_wait3A_87 = tpu.memref_slice %arg7[%scan3A_81, %dma_wait3A] : memref<79x128xi32, #tpu.memory_space<vmem>> -> memref<1x128xi32, #tpu.memory_space<vmem>>
      %dma_wait3A_88 = tpu.memref_squeeze %dma_wait3A_87 : memref<1x128xi32, #tpu.memory_space<vmem>> -> memref<128xi32, #tpu.memory_space<vmem>>
      %dma_wait3A_89 = arith.constant 0 : i32
      %dma_wait3A_90 = arith.constant 0 : i32
      %dma_wait3A_91 = tpu.memref_slice %arg2[%dma_wait3A_89, %dma_wait3A_90] : memref<10000x128xf32, #tpu.memory_space<hbm>> -> memref<10000x128xf32, #tpu.memory_space<hbm>>
      tpu.wait_indirect_dma semaphore(%arg14 : memref<!tpu.dma_semaphore, #tpu.memory_space<semaphore_mem>>) src(%dma_wait3A_91 : memref<10000x128xf32, #tpu.memory_space<hbm>>) dst(%arg9 : memref<128x128xf32, #tpu.memory_space<vmem>>)
      "tpu.region"() ({
        %run_scoped3A = tpu.sem_alloc : memref<!tpu.dma_semaphore, #tpu.memory_space<semaphore_mem>>
        %dma_start3A_92 = arith.constant 0 : i32
        %dma_start3A_93 = tpu.memref_slice %arg8[%scan3A_81, %dma_start3A_92] : memref<79x128xi32, #tpu.memory_space<vmem>> -> memref<1x128xi32, #tpu.memory_space<vmem>>
        %dma_start3A_94 = tpu.memref_squeeze %dma_start3A_93 : memref<1x128xi32, #tpu.memory_space<vmem>> -> memref<128xi32, #tpu.memory_space<vmem>>
        %dma_start3A_95 = arith.constant 0 : i32
        %dma_start3A_96 = arith.constant 0 : i32
        %dma_start3A_97 = tpu.memref_slice %arg12[%dma_start3A_95, %dma_start3A_96] : memref<10016x128xf32, #tpu.memory_space<vmem_shared>> -> memref<10016x128xf32, #tpu.memory_space<vmem_shared>>
        tpu.enqueue_indirect_dma source(%arg9 : memref<128x128xf32, #tpu.memory_space<vmem>>) target(%dma_start3A_97 : memref<10016x128xf32, #tpu.memory_space<vmem_shared>>) offsets(%dma_start3A_94 : memref<128xi32, #tpu.memory_space<vmem>>) semaphore(%run_scoped3A : memref<!tpu.dma_semaphore, #tpu.memory_space<semaphore_mem>>) {add = true}
        %dma_wait3A_98 = arith.constant 0 : i32
        %dma_wait3A_99 = tpu.memref_slice %arg8[%scan3A_81, %dma_wait3A_98] : memref<79x128xi32, #tpu.memory_space<vmem>> -> memref<1x128xi32, #tpu.memory_space<vmem>>
        %dma_wait3A_100 = tpu.memref_squeeze %dma_wait3A_99 : memref<1x128xi32, #tpu.memory_space<vmem>> -> memref<128xi32, #tpu.memory_space<vmem>>
        %dma_wait3A_101 = arith.constant 0 : i32
        %dma_wait3A_102 = arith.constant 0 : i32
        %dma_wait3A_103 = tpu.memref_slice %arg12[%dma_wait3A_101, %dma_wait3A_102] : memref<10016x128xf32, #tpu.memory_space<vmem_shared>> -> memref<10016x128xf32, #tpu.memory_space<vmem_shared>>
        tpu.wait_indirect_dma semaphore(%run_scoped3A : memref<!tpu.dma_semaphore, #tpu.memory_space<semaphore_mem>>) src(%arg9 : memref<128x128xf32, #tpu.memory_space<vmem>>) dst(%dma_wait3A_103 : memref<10016x128xf32, #tpu.memory_space<vmem_shared>>)
        tpu.yield
      }) : () -> ()
      "tpu.region"() ({
        %run_scoped3A = tpu.sem_alloc : memref<!tpu.dma_semaphore, #tpu.memory_space<semaphore_mem>>
        %dma_start3A_92 = arith.constant 0 : i32
        %dma_start3A_93 = tpu.memref_slice %arg8[%scan3A_81, %dma_start3A_92] : memref<79x128xi32, #tpu.memory_space<vmem>> -> memref<1x128xi32, #tpu.memory_space<vmem>>
        %dma_start3A_94 = tpu.memref_squeeze %dma_start3A_93 : memref<1x128xi32, #tpu.memory_space<vmem>> -> memref<128xi32, #tpu.memory_space<vmem>>
        %dma_start3A_95 = arith.constant 0 : i32
        %dma_start3A_96 = arith.constant 0 : i32
        %dma_start3A_97 = tpu.memref_slice %arg13[%dma_start3A_95, %dma_start3A_96] : memref<10016x16xf32, #tpu.memory_space<vmem_shared>> -> memref<10016x16xf32, #tpu.memory_space<vmem_shared>>
        tpu.enqueue_indirect_dma source(%arg10 : memref<128x16xf32, #tpu.memory_space<vmem>>) target(%dma_start3A_97 : memref<10016x16xf32, #tpu.memory_space<vmem_shared>>) offsets(%dma_start3A_94 : memref<128xi32, #tpu.memory_space<vmem>>) semaphore(%run_scoped3A : memref<!tpu.dma_semaphore, #tpu.memory_space<semaphore_mem>>) {add = true}
        %dma_wait3A_98 = arith.constant 0 : i32
        %dma_wait3A_99 = tpu.memref_slice %arg8[%scan3A_81, %dma_wait3A_98] : memref<79x128xi32, #tpu.memory_space<vmem>> -> memref<1x128xi32, #tpu.memory_space<vmem>>
        %dma_wait3A_100 = tpu.memref_squeeze %dma_wait3A_99 : memref<1x128xi32, #tpu.memory_space<vmem>> -> memref<128xi32, #tpu.memory_space<vmem>>
        %dma_wait3A_101 = arith.constant 0 : i32
        %dma_wait3A_102 = arith.constant 0 : i32
        %dma_wait3A_103 = tpu.memref_slice %arg13[%dma_wait3A_101, %dma_wait3A_102] : memref<10016x16xf32, #tpu.memory_space<vmem_shared>> -> memref<10016x16xf32, #tpu.memory_space<vmem_shared>>
        tpu.wait_indirect_dma semaphore(%run_scoped3A : memref<!tpu.dma_semaphore, #tpu.memory_space<semaphore_mem>>) src(%arg10 : memref<128x16xf32, #tpu.memory_space<vmem>>) dst(%dma_wait3A_103 : memref<10016x16xf32, #tpu.memory_space<vmem_shared>>)
        tpu.yield
      }) : () -> ()
    }
    %scan3A_39 = arith.constant 79 : i32
    %barrier3A_40 = arith.constant 0 : index
    tpu.barrier barrier_id(%barrier3A_40)
    %add3A_41 = arith.constant 0 : i32
    %add3A_42 = arith.addi %mul3A_2, %add3A_41 : i32
    "tpu.region"() ({
      %run_scoped3A = tpu.sem_alloc : memref<!tpu.dma_semaphore, #tpu.memory_space<semaphore_mem>>
      %dma_start3A = arith.constant 0 : i32
      %dma_start3A_81 = arith.constant 0 : i32
      %dma_start3A_82 = tpu.memref_slice %arg9[%dma_start3A, %dma_start3A_81] : memref<128x128xf32, #tpu.memory_space<vmem>> -> memref<128x128xf32, #tpu.memory_space<vmem>>
      %dma_start3A_83 = arith.constant 0 : i32
      %dma_start3A_84 = tpu.memref_slice %arg12[%add3A_42, %dma_start3A_83] : memref<10016x128xf32, #tpu.memory_space<vmem_shared>> -> memref<128x128xf32, #tpu.memory_space<vmem_shared>>
      %dma_start3A_85 = arith.constant 0 : i32
      %dma_start3A_86 = arith.constant 0 : i32
      %dma_start3A_87 = tpu.memref_slice %arg9[%dma_start3A_85, %dma_start3A_86] : memref<128x128xf32, #tpu.memory_space<vmem>> -> memref<128x128xf32, #tpu.memory_space<vmem>>
      %dma_start3A_88 = arith.constant 0 : i32
      %dma_start3A_89 = tpu.memref_slice %arg12[%add3A_42, %dma_start3A_88] : memref<10016x128xf32, #tpu.memory_space<vmem_shared>> -> memref<128x128xf32, #tpu.memory_space<vmem_shared>>
      tpu.enqueue_dma source(%dma_start3A_89 : memref<128x128xf32, #tpu.memory_space<vmem_shared>>) target(%dma_start3A_87 : memref<128x128xf32, #tpu.memory_space<vmem>>) target_semaphore(%run_scoped3A : memref<!tpu.dma_semaphore, #tpu.memory_space<semaphore_mem>>)
      %dma_wait3A = arith.constant 0 : i32
      %dma_wait3A_90 = arith.constant 0 : i32
      %dma_wait3A_91 = tpu.memref_slice %arg9[%dma_wait3A, %dma_wait3A_90] : memref<128x128xf32, #tpu.memory_space<vmem>> -> memref<128x128xf32, #tpu.memory_space<vmem>>
      %dma_wait3A_92 = arith.constant 0 : i32
      %dma_wait3A_93 = tpu.memref_slice %arg12[%add3A_42, %dma_wait3A_92] : memref<10016x128xf32, #tpu.memory_space<vmem_shared>> -> memref<128x128xf32, #tpu.memory_space<vmem_shared>>
      %dma_wait3A_94 = arith.constant 0 : i32
      %dma_wait3A_95 = arith.constant 0 : i32
      %dma_wait3A_96 = tpu.memref_slice %arg9[%dma_wait3A_94, %dma_wait3A_95] : memref<128x128xf32, #tpu.memory_space<vmem>> -> memref<128x128xf32, #tpu.memory_space<vmem>>
      %dma_wait3A_97 = arith.constant 0 : i32
      %dma_wait3A_98 = tpu.memref_slice %arg12[%add3A_42, %dma_wait3A_97] : memref<10016x128xf32, #tpu.memory_space<vmem_shared>> -> memref<128x128xf32, #tpu.memory_space<vmem_shared>>
      tpu.wait_dma2 semaphore(%run_scoped3A : memref<!tpu.dma_semaphore, #tpu.memory_space<semaphore_mem>>) src(%dma_wait3A_98 : memref<128x128xf32, #tpu.memory_space<vmem_shared>>) dst(%dma_wait3A_96 : memref<128x128xf32, #tpu.memory_space<vmem>>)
      tpu.yield
    }) : () -> ()
    %add3A_43 = arith.constant 0 : i32
    %add3A_44 = arith.addi %mul3A_2, %add3A_43 : i32
    "tpu.region"() ({
      %run_scoped3A = tpu.sem_alloc : memref<!tpu.dma_semaphore, #tpu.memory_space<semaphore_mem>>
      %dma_start3A = arith.constant 0 : i32
      %dma_start3A_81 = arith.constant 0 : i32
      %dma_start3A_82 = tpu.memref_slice %arg9[%dma_start3A, %dma_start3A_81] : memref<128x128xf32, #tpu.memory_space<vmem>> -> memref<128x128xf32, #tpu.memory_space<vmem>>
      %dma_start3A_83 = arith.constant 0 : i32
      %dma_start3A_84 = tpu.memref_slice %arg5[%arg0, %add3A_44, %dma_start3A_83] : memref<2x10016x128xf32, #tpu.memory_space<hbm>> -> memref<1x128x128xf32, #tpu.memory_space<hbm>>
      %dma_start3A_85 = tpu.memref_squeeze %dma_start3A_84 : memref<1x128x128xf32, #tpu.memory_space<hbm>> -> memref<128x128xf32, #tpu.memory_space<hbm>>
      %dma_start3A_86 = arith.constant 0 : i32
      %dma_start3A_87 = tpu.memref_slice %arg5[%arg0, %add3A_44, %dma_start3A_86] : memref<2x10016x128xf32, #tpu.memory_space<hbm>> -> memref<1x128x128xf32, #tpu.memory_space<hbm>>
      %dma_start3A_88 = tpu.memref_squeeze %dma_start3A_87 : memref<1x128x128xf32, #tpu.memory_space<hbm>> -> memref<128x128xf32, #tpu.memory_space<hbm>>
      %dma_start3A_89 = arith.constant 0 : i32
      %dma_start3A_90 = arith.constant 0 : i32
      %dma_start3A_91 = tpu.memref_slice %arg9[%dma_start3A_89, %dma_start3A_90] : memref<128x128xf32, #tpu.memory_space<vmem>> -> memref<128x128xf32, #tpu.memory_space<vmem>>
      tpu.enqueue_dma source(%dma_start3A_91 : memref<128x128xf32, #tpu.memory_space<vmem>>) target(%dma_start3A_88 : memref<128x128xf32, #tpu.memory_space<hbm>>) target_semaphore(%run_scoped3A : memref<!tpu.dma_semaphore, #tpu.memory_space<semaphore_mem>>)
      %dma_wait3A = arith.constant 0 : i32
      %dma_wait3A_92 = arith.constant 0 : i32
      %dma_wait3A_93 = tpu.memref_slice %arg9[%dma_wait3A, %dma_wait3A_92] : memref<128x128xf32, #tpu.memory_space<vmem>> -> memref<128x128xf32, #tpu.memory_space<vmem>>
      %dma_wait3A_94 = arith.constant 0 : i32
      %dma_wait3A_95 = tpu.memref_slice %arg5[%arg0, %add3A_44, %dma_wait3A_94] : memref<2x10016x128xf32, #tpu.memory_space<hbm>> -> memref<1x128x128xf32, #tpu.memory_space<hbm>>
      %dma_wait3A_96 = tpu.memref_squeeze %dma_wait3A_95 : memref<1x128x128xf32, #tpu.memory_space<hbm>> -> memref<128x128xf32, #tpu.memory_space<hbm>>
      %dma_wait3A_97 = arith.constant 0 : i32
      %dma_wait3A_98 = tpu.memref_slice %arg5[%arg0, %add3A_44, %dma_wait3A_97] : memref<2x10016x128xf32, #tpu.memory_space<hbm>> -> memref<1x128x128xf32, #tpu.memory_space<hbm>>
      %dma_wait3A_99 = tpu.memref_squeeze %dma_wait3A_98 : memref<1x128x128xf32, #tpu.memory_space<hbm>> -> memref<128x128xf32, #tpu.memory_space<hbm>>
      %dma_wait3A_100 = arith.constant 0 : i32
      %dma_wait3A_101 = arith.constant 0 : i32
      %dma_wait3A_102 = tpu.memref_slice %arg9[%dma_wait3A_100, %dma_wait3A_101] : memref<128x128xf32, #tpu.memory_space<vmem>> -> memref<128x128xf32, #tpu.memory_space<vmem>>
      tpu.wait_dma2 semaphore(%run_scoped3A : memref<!tpu.dma_semaphore, #tpu.memory_space<semaphore_mem>>) src(%dma_wait3A_102 : memref<128x128xf32, #tpu.memory_space<vmem>>) dst(%dma_wait3A_99 : memref<128x128xf32, #tpu.memory_space<hbm>>)
      tpu.yield
    }) : () -> ()
    %add3A_45 = arith.constant 0 : i32
    %add3A_46 = arith.addi %mul3A_2, %add3A_45 : i32
    "tpu.region"() ({
      %run_scoped3A = tpu.sem_alloc : memref<!tpu.dma_semaphore, #tpu.memory_space<semaphore_mem>>
      %dma_start3A = arith.constant 0 : i32
      %dma_start3A_81 = arith.constant 0 : i32
      %dma_start3A_82 = tpu.memref_slice %arg11[%dma_start3A, %dma_start3A_81] : memref<128x16xf32, #tpu.memory_space<vmem>> -> memref<128x16xf32, #tpu.memory_space<vmem>>
      %dma_start3A_83 = arith.constant 0 : i32
      %dma_start3A_84 = tpu.memref_slice %arg13[%add3A_46, %dma_start3A_83] : memref<10016x16xf32, #tpu.memory_space<vmem_shared>> -> memref<128x16xf32, #tpu.memory_space<vmem_shared>>
      %dma_start3A_85 = arith.constant 0 : i32
      %dma_start3A_86 = arith.constant 0 : i32
      %dma_start3A_87 = tpu.memref_slice %arg11[%dma_start3A_85, %dma_start3A_86] : memref<128x16xf32, #tpu.memory_space<vmem>> -> memref<128x16xf32, #tpu.memory_space<vmem>>
      %dma_start3A_88 = arith.constant 0 : i32
      %dma_start3A_89 = tpu.memref_slice %arg13[%add3A_46, %dma_start3A_88] : memref<10016x16xf32, #tpu.memory_space<vmem_shared>> -> memref<128x16xf32, #tpu.memory_space<vmem_shared>>
      tpu.enqueue_dma source(%dma_start3A_89 : memref<128x16xf32, #tpu.memory_space<vmem_shared>>) target(%dma_start3A_87 : memref<128x16xf32, #tpu.memory_space<vmem>>) target_semaphore(%run_scoped3A : memref<!tpu.dma_semaphore, #tpu.memory_space<semaphore_mem>>)
      %dma_wait3A = arith.constant 0 : i32
      %dma_wait3A_90 = arith.constant 0 : i32
      %dma_wait3A_91 = tpu.memref_slice %arg11[%dma_wait3A, %dma_wait3A_90] : memref<128x16xf32, #tpu.memory_space<vmem>> -> memref<128x16xf32, #tpu.memory_space<vmem>>
      %dma_wait3A_92 = arith.constant 0 : i32
      %dma_wait3A_93 = tpu.memref_slice %arg13[%add3A_46, %dma_wait3A_92] : memref<10016x16xf32, #tpu.memory_space<vmem_shared>> -> memref<128x16xf32, #tpu.memory_space<vmem_shared>>
      %dma_wait3A_94 = arith.constant 0 : i32
      %dma_wait3A_95 = arith.constant 0 : i32
      %dma_wait3A_96 = tpu.memref_slice %arg11[%dma_wait3A_94, %dma_wait3A_95] : memref<128x16xf32, #tpu.memory_space<vmem>> -> memref<128x16xf32, #tpu.memory_space<vmem>>
      %dma_wait3A_97 = arith.constant 0 : i32
      %dma_wait3A_98 = tpu.memref_slice %arg13[%add3A_46, %dma_wait3A_97] : memref<10016x16xf32, #tpu.memory_space<vmem_shared>> -> memref<128x16xf32, #tpu.memory_space<vmem_shared>>
      tpu.wait_dma2 semaphore(%run_scoped3A : memref<!tpu.dma_semaphore, #tpu.memory_space<semaphore_mem>>) src(%dma_wait3A_98 : memref<128x16xf32, #tpu.memory_space<vmem_shared>>) dst(%dma_wait3A_96 : memref<128x16xf32, #tpu.memory_space<vmem>>)
      tpu.yield
    }) : () -> ()
    %add3A_47 = arith.constant 0 : i32
    %add3A_48 = arith.addi %mul3A_2, %add3A_47 : i32
    "tpu.region"() ({
      %run_scoped3A = tpu.sem_alloc : memref<!tpu.dma_semaphore, #tpu.memory_space<semaphore_mem>>
      %dma_start3A = arith.constant 0 : i32
      %dma_start3A_81 = arith.constant 0 : i32
      %dma_start3A_82 = tpu.memref_slice %arg11[%dma_start3A, %dma_start3A_81] : memref<128x16xf32, #tpu.memory_space<vmem>> -> memref<128x16xf32, #tpu.memory_space<vmem>>
      %dma_start3A_83 = arith.constant 0 : i32
      %dma_start3A_84 = tpu.memref_slice %arg6[%arg0, %add3A_48, %dma_start3A_83] : memref<2x10016x16xf32, #tpu.memory_space<hbm>> -> memref<1x128x16xf32, #tpu.memory_space<hbm>>
      %dma_start3A_85 = tpu.memref_squeeze %dma_start3A_84 : memref<1x128x16xf32, #tpu.memory_space<hbm>> -> memref<128x16xf32, #tpu.memory_space<hbm>>
      %dma_start3A_86 = arith.constant 0 : i32
      %dma_start3A_87 = tpu.memref_slice %arg6[%arg0, %add3A_48, %dma_start3A_86] : memref<2x10016x16xf32, #tpu.memory_space<hbm>> -> memref<1x128x16xf32, #tpu.memory_space<hbm>>
      %dma_start3A_88 = tpu.memref_squeeze %dma_start3A_87 : memref<1x128x16xf32, #tpu.memory_space<hbm>> -> memref<128x16xf32, #tpu.memory_space<hbm>>
      %dma_start3A_89 = arith.constant 0 : i32
      %dma_start3A_90 = arith.constant 0 : i32
      %dma_start3A_91 = tpu.memref_slice %arg11[%dma_start3A_89, %dma_start3A_90] : memref<128x16xf32, #tpu.memory_space<vmem>> -> memref<128x16xf32, #tpu.memory_space<vmem>>
      tpu.enqueue_dma source(%dma_start3A_91 : memref<128x16xf32, #tpu.memory_space<vmem>>) target(%dma_start3A_88 : memref<128x16xf32, #tpu.memory_space<hbm>>) target_semaphore(%run_scoped3A : memref<!tpu.dma_semaphore, #tpu.memory_space<semaphore_mem>>)
      %dma_wait3A = arith.constant 0 : i32
      %dma_wait3A_92 = arith.constant 0 : i32
      %dma_wait3A_93 = tpu.memref_slice %arg11[%dma_wait3A, %dma_wait3A_92] : memref<128x16xf32, #tpu.memory_space<vmem>> -> memref<128x16xf32, #tpu.memory_space<vmem>>
      %dma_wait3A_94 = arith.constant 0 : i32
      %dma_wait3A_95 = tpu.memref_slice %arg6[%arg0, %add3A_48, %dma_wait3A_94] : memref<2x10016x16xf32, #tpu.memory_space<hbm>> -> memref<1x128x16xf32, #tpu.memory_space<hbm>>
      %dma_wait3A_96 = tpu.memref_squeeze %dma_wait3A_95 : memref<1x128x16xf32, #tpu.memory_space<hbm>> -> memref<128x16xf32, #tpu.memory_space<hbm>>
      %dma_wait3A_97 = arith.constant 0 : i32
      %dma_wait3A_98 = tpu.memref_slice %arg6[%arg0, %add3A_48, %dma_wait3A_97] : memref<2x10016x16xf32, #tpu.memory_space<hbm>> -> memref<1x128x16xf32, #tpu.memory_space<hbm>>
      %dma_wait3A_99 = tpu.memref_squeeze %dma_wait3A_98 : memref<1x128x16xf32, #tpu.memory_space<hbm>> -> memref<128x16xf32, #tpu.memory_space<hbm>>
      %dma_wait3A_100 = arith.constant 0 : i32
      %dma_wait3A_101 = arith.constant 0 : i32
      %dma_wait3A_102 = tpu.memref_slice %arg11[%dma_wait3A_100, %dma_wait3A_101] : memref<128x16xf32, #tpu.memory_space<vmem>> -> memref<128x16xf32, #tpu.memory_space<vmem>>
      tpu.wait_dma2 semaphore(%run_scoped3A : memref<!tpu.dma_semaphore, #tpu.memory_space<semaphore_mem>>) src(%dma_wait3A_102 : memref<128x16xf32, #tpu.memory_space<vmem>>) dst(%dma_wait3A_99 : memref<128x16xf32, #tpu.memory_space<hbm>>)
      tpu.yield
    }) : () -> ()
    %add3A_49 = arith.constant 128 : i32
    %add3A_50 = arith.addi %mul3A_2, %add3A_49 : i32
    "tpu.region"() ({
      %run_scoped3A = tpu.sem_alloc : memref<!tpu.dma_semaphore, #tpu.memory_space<semaphore_mem>>
      %dma_start3A = arith.constant 0 : i32
      %dma_start3A_81 = arith.constant 0 : i32
      %dma_start3A_82 = tpu.memref_slice %arg9[%dma_start3A, %dma_start3A_81] : memref<128x128xf32, #tpu.memory_space<vmem>> -> memref<128x128xf32, #tpu.memory_space<vmem>>
      %dma_start3A_83 = arith.constant 0 : i32
      %dma_start3A_84 = tpu.memref_slice %arg12[%add3A_50, %dma_start3A_83] : memref<10016x128xf32, #tpu.memory_space<vmem_shared>> -> memref<128x128xf32, #tpu.memory_space<vmem_shared>>
      %dma_start3A_85 = arith.constant 0 : i32
      %dma_start3A_86 = arith.constant 0 : i32
      %dma_start3A_87 = tpu.memref_slice %arg9[%dma_start3A_85, %dma_start3A_86] : memref<128x128xf32, #tpu.memory_space<vmem>> -> memref<128x128xf32, #tpu.memory_space<vmem>>
      %dma_start3A_88 = arith.constant 0 : i32
      %dma_start3A_89 = tpu.memref_slice %arg12[%add3A_50, %dma_start3A_88] : memref<10016x128xf32, #tpu.memory_space<vmem_shared>> -> memref<128x128xf32, #tpu.memory_space<vmem_shared>>
      tpu.enqueue_dma source(%dma_start3A_89 : memref<128x128xf32, #tpu.memory_space<vmem_shared>>) target(%dma_start3A_87 : memref<128x128xf32, #tpu.memory_space<vmem>>) target_semaphore(%run_scoped3A : memref<!tpu.dma_semaphore, #tpu.memory_space<semaphore_mem>>)
      %dma_wait3A = arith.constant 0 : i32
      %dma_wait3A_90 = arith.constant 0 : i32
      %dma_wait3A_91 = tpu.memref_slice %arg9[%dma_wait3A, %dma_wait3A_90] : memref<128x128xf32, #tpu.memory_space<vmem>> -> memref<128x128xf32, #tpu.memory_space<vmem>>
      %dma_wait3A_92 = arith.constant 0 : i32
      %dma_wait3A_93 = tpu.memref_slice %arg12[%add3A_50, %dma_wait3A_92] : memref<10016x128xf32, #tpu.memory_space<vmem_shared>> -> memref<128x128xf32, #tpu.memory_space<vmem_shared>>
      %dma_wait3A_94 = arith.constant 0 : i32
      %dma_wait3A_95 = arith.constant 0 : i32
      %dma_wait3A_96 = tpu.memref_slice %arg9[%dma_wait3A_94, %dma_wait3A_95] : memref<128x128xf32, #tpu.memory_space<vmem>> -> memref<128x128xf32, #tpu.memory_space<vmem>>
      %dma_wait3A_97 = arith.constant 0 : i32
      %dma_wait3A_98 = tpu.memref_slice %arg12[%add3A_50, %dma_wait3A_97] : memref<10016x128xf32, #tpu.memory_space<vmem_shared>> -> memref<128x128xf32, #tpu.memory_space<vmem_shared>>
      tpu.wait_dma2 semaphore(%run_scoped3A : memref<!tpu.dma_semaphore, #tpu.memory_space<semaphore_mem>>) src(%dma_wait3A_98 : memref<128x128xf32, #tpu.memory_space<vmem_shared>>) dst(%dma_wait3A_96 : memref<128x128xf32, #tpu.memory_space<vmem>>)
      tpu.yield
    }) : () -> ()
    %add3A_51 = arith.constant 128 : i32
    %add3A_52 = arith.addi %mul3A_2, %add3A_51 : i32
    "tpu.region"() ({
      %run_scoped3A = tpu.sem_alloc : memref<!tpu.dma_semaphore, #tpu.memory_space<semaphore_mem>>
      %dma_start3A = arith.constant 0 : i32
      %dma_start3A_81 = arith.constant 0 : i32
      %dma_start3A_82 = tpu.memref_slice %arg9[%dma_start3A, %dma_start3A_81] : memref<128x128xf32, #tpu.memory_space<vmem>> -> memref<128x128xf32, #tpu.memory_space<vmem>>
      %dma_start3A_83 = arith.constant 0 : i32
      %dma_start3A_84 = tpu.memref_slice %arg5[%arg0, %add3A_52, %dma_start3A_83] : memref<2x10016x128xf32, #tpu.memory_space<hbm>> -> memref<1x128x128xf32, #tpu.memory_space<hbm>>
      %dma_start3A_85 = tpu.memref_squeeze %dma_start3A_84 : memref<1x128x128xf32, #tpu.memory_space<hbm>> -> memref<128x128xf32, #tpu.memory_space<hbm>>
      %dma_start3A_86 = arith.constant 0 : i32
      %dma_start3A_87 = tpu.memref_slice %arg5[%arg0, %add3A_52, %dma_start3A_86] : memref<2x10016x128xf32, #tpu.memory_space<hbm>> -> memref<1x128x128xf32, #tpu.memory_space<hbm>>
      %dma_start3A_88 = tpu.memref_squeeze %dma_start3A_87 : memref<1x128x128xf32, #tpu.memory_space<hbm>> -> memref<128x128xf32, #tpu.memory_space<hbm>>
      %dma_start3A_89 = arith.constant 0 : i32
      %dma_start3A_90 = arith.constant 0 : i32
      %dma_start3A_91 = tpu.memref_slice %arg9[%dma_start3A_89, %dma_start3A_90] : memref<128x128xf32, #tpu.memory_space<vmem>> -> memref<128x128xf32, #tpu.memory_space<vmem>>
      tpu.enqueue_dma source(%dma_start3A_91 : memref<128x128xf32, #tpu.memory_space<vmem>>) target(%dma_start3A_88 : memref<128x128xf32, #tpu.memory_space<hbm>>) target_semaphore(%run_scoped3A : memref<!tpu.dma_semaphore, #tpu.memory_space<semaphore_mem>>)
      %dma_wait3A = arith.constant 0 : i32
      %dma_wait3A_92 = arith.constant 0 : i32
      %dma_wait3A_93 = tpu.memref_slice %arg9[%dma_wait3A, %dma_wait3A_92] : memref<128x128xf32, #tpu.memory_space<vmem>> -> memref<128x128xf32, #tpu.memory_space<vmem>>
      %dma_wait3A_94 = arith.constant 0 : i32
      %dma_wait3A_95 = tpu.memref_slice %arg5[%arg0, %add3A_52, %dma_wait3A_94] : memref<2x10016x128xf32, #tpu.memory_space<hbm>> -> memref<1x128x128xf32, #tpu.memory_space<hbm>>
      %dma_wait3A_96 = tpu.memref_squeeze %dma_wait3A_95 : memref<1x128x128xf32, #tpu.memory_space<hbm>> -> memref<128x128xf32, #tpu.memory_space<hbm>>
      %dma_wait3A_97 = arith.constant 0 : i32
      %dma_wait3A_98 = tpu.memref_slice %arg5[%arg0, %add3A_52, %dma_wait3A_97] : memref<2x10016x128xf32, #tpu.memory_space<hbm>> -> memref<1x128x128xf32, #tpu.memory_space<hbm>>
      %dma_wait3A_99 = tpu.memref_squeeze %dma_wait3A_98 : memref<1x128x128xf32, #tpu.memory_space<hbm>> -> memref<128x128xf32, #tpu.memory_space<hbm>>
      %dma_wait3A_100 = arith.constant 0 : i32
      %dma_wait3A_101 = arith.constant 0 : i32
      %dma_wait3A_102 = tpu.memref_slice %arg9[%dma_wait3A_100, %dma_wait3A_101] : memref<128x128xf32, #tpu.memory_space<vmem>> -> memref<128x128xf32, #tpu.memory_space<vmem>>
      tpu.wait_dma2 semaphore(%run_scoped3A : memref<!tpu.dma_semaphore, #tpu.memory_space<semaphore_mem>>) src(%dma_wait3A_102 : memref<128x128xf32, #tpu.memory_space<vmem>>) dst(%dma_wait3A_99 : memref<128x128xf32, #tpu.memory_space<hbm>>)
      tpu.yield
    }) : () -> ()
    %add3A_53 = arith.constant 128 : i32
    %add3A_54 = arith.addi %mul3A_2, %add3A_53 : i32
    "tpu.region"() ({
      %run_scoped3A = tpu.sem_alloc : memref<!tpu.dma_semaphore, #tpu.memory_space<semaphore_mem>>
      %dma_start3A = arith.constant 0 : i32
      %dma_start3A_81 = arith.constant 0 : i32
      %dma_start3A_82 = tpu.memref_slice %arg11[%dma_start3A, %dma_start3A_81] : memref<128x16xf32, #tpu.memory_space<vmem>> -> memref<128x16xf32, #tpu.memory_space<vmem>>
      %dma_start3A_83 = arith.constant 0 : i32
      %dma_start3A_84 = tpu.memref_slice %arg13[%add3A_54, %dma_start3A_83] : memref<10016x16xf32, #tpu.memory_space<vmem_shared>> -> memref<128x16xf32, #tpu.memory_space<vmem_shared>>
      %dma_start3A_85 = arith.constant 0 : i32
      %dma_start3A_86 = arith.constant 0 : i32
      %dma_start3A_87 = tpu.memref_slice %arg11[%dma_start3A_85, %dma_start3A_86] : memref<128x16xf32, #tpu.memory_space<vmem>> -> memref<128x16xf32, #tpu.memory_space<vmem>>
      %dma_start3A_88 = arith.constant 0 : i32
      %dma_start3A_89 = tpu.memref_slice %arg13[%add3A_54, %dma_start3A_88] : memref<10016x16xf32, #tpu.memory_space<vmem_shared>> -> memref<128x16xf32, #tpu.memory_space<vmem_shared>>
      tpu.enqueue_dma source(%dma_start3A_89 : memref<128x16xf32, #tpu.memory_space<vmem_shared>>) target(%dma_start3A_87 : memref<128x16xf32, #tpu.memory_space<vmem>>) target_semaphore(%run_scoped3A : memref<!tpu.dma_semaphore, #tpu.memory_space<semaphore_mem>>)
      %dma_wait3A = arith.constant 0 : i32
      %dma_wait3A_90 = arith.constant 0 : i32
      %dma_wait3A_91 = tpu.memref_slice %arg11[%dma_wait3A, %dma_wait3A_90] : memref<128x16xf32, #tpu.memory_space<vmem>> -> memref<128x16xf32, #tpu.memory_space<vmem>>
      %dma_wait3A_92 = arith.constant 0 : i32
      %dma_wait3A_93 = tpu.memref_slice %arg13[%add3A_54, %dma_wait3A_92] : memref<10016x16xf32, #tpu.memory_space<vmem_shared>> -> memref<128x16xf32, #tpu.memory_space<vmem_shared>>
      %dma_wait3A_94 = arith.constant 0 : i32
      %dma_wait3A_95 = arith.constant 0 : i32
      %dma_wait3A_96 = tpu.memref_slice %arg11[%dma_wait3A_94, %dma_wait3A_95] : memref<128x16xf32, #tpu.memory_space<vmem>> -> memref<128x16xf32, #tpu.memory_space<vmem>>
      %dma_wait3A_97 = arith.constant 0 : i32
      %dma_wait3A_98 = tpu.memref_slice %arg13[%add3A_54, %dma_wait3A_97] : memref<10016x16xf32, #tpu.memory_space<vmem_shared>> -> memref<128x16xf32, #tpu.memory_space<vmem_shared>>
      tpu.wait_dma2 semaphore(%run_scoped3A : memref<!tpu.dma_semaphore, #tpu.memory_space<semaphore_mem>>) src(%dma_wait3A_98 : memref<128x16xf32, #tpu.memory_space<vmem_shared>>) dst(%dma_wait3A_96 : memref<128x16xf32, #tpu.memory_space<vmem>>)
      tpu.yield
    }) : () -> ()
    %add3A_55 = arith.constant 128 : i32
    %add3A_56 = arith.addi %mul3A_2, %add3A_55 : i32
    "tpu.region"() ({
      %run_scoped3A = tpu.sem_alloc : memref<!tpu.dma_semaphore, #tpu.memory_space<semaphore_mem>>
      %dma_start3A = arith.constant 0 : i32
      %dma_start3A_81 = arith.constant 0 : i32
      %dma_start3A_82 = tpu.memref_slice %arg11[%dma_start3A, %dma_start3A_81] : memref<128x16xf32, #tpu.memory_space<vmem>> -> memref<128x16xf32, #tpu.memory_space<vmem>>
      %dma_start3A_83 = arith.constant 0 : i32
      %dma_start3A_84 = tpu.memref_slice %arg6[%arg0, %add3A_56, %dma_start3A_83] : memref<2x10016x16xf32, #tpu.memory_space<hbm>> -> memref<1x128x16xf32, #tpu.memory_space<hbm>>
      %dma_start3A_85 = tpu.memref_squeeze %dma_start3A_84 : memref<1x128x16xf32, #tpu.memory_space<hbm>> -> memref<128x16xf32, #tpu.memory_space<hbm>>
      %dma_start3A_86 = arith.constant 0 : i32
      %dma_start3A_87 = tpu.memref_slice %arg6[%arg0, %add3A_56, %dma_start3A_86] : memref<2x10016x16xf32, #tpu.memory_space<hbm>> -> memref<1x128x16xf32, #tpu.memory_space<hbm>>
      %dma_start3A_88 = tpu.memref_squeeze %dma_start3A_87 : memref<1x128x16xf32, #tpu.memory_space<hbm>> -> memref<128x16xf32, #tpu.memory_space<hbm>>
      %dma_start3A_89 = arith.constant 0 : i32
      %dma_start3A_90 = arith.constant 0 : i32
      %dma_start3A_91 = tpu.memref_slice %arg11[%dma_start3A_89, %dma_start3A_90] : memref<128x16xf32, #tpu.memory_space<vmem>> -> memref<128x16xf32, #tpu.memory_space<vmem>>
      tpu.enqueue_dma source(%dma_start3A_91 : memref<128x16xf32, #tpu.memory_space<vmem>>) target(%dma_start3A_88 : memref<128x16xf32, #tpu.memory_space<hbm>>) target_semaphore(%run_scoped3A : memref<!tpu.dma_semaphore, #tpu.memory_space<semaphore_mem>>)
      %dma_wait3A = arith.constant 0 : i32
      %dma_wait3A_92 = arith.constant 0 : i32
      %dma_wait3A_93 = tpu.memref_slice %arg11[%dma_wait3A, %dma_wait3A_92] : memref<128x16xf32, #tpu.memory_space<vmem>> -> memref<128x16xf32, #tpu.memory_space<vmem>>
      %dma_wait3A_94 = arith.constant 0 : i32
      %dma_wait3A_95 = tpu.memref_slice %arg6[%arg0, %add3A_56, %dma_wait3A_94] : memref<2x10016x16xf32, #tpu.memory_space<hbm>> -> memref<1x128x16xf32, #tpu.memory_space<hbm>>
      %dma_wait3A_96 = tpu.memref_squeeze %dma_wait3A_95 : memref<1x128x16xf32, #tpu.memory_space<hbm>> -> memref<128x16xf32, #tpu.memory_space<hbm>>
      %dma_wait3A_97 = arith.constant 0 : i32
      %dma_wait3A_98 = tpu.memref_slice %arg6[%arg0, %add3A_56, %dma_wait3A_97] : memref<2x10016x16xf32, #tpu.memory_space<hbm>> -> memref<1x128x16xf32, #tpu.memory_space<hbm>>
      %dma_wait3A_99 = tpu.memref_squeeze %dma_wait3A_98 : memref<1x128x16xf32, #tpu.memory_space<hbm>> -> memref<128x16xf32, #tpu.memory_space<hbm>>
      %dma_wait3A_100 = arith.constant 0 : i32
      %dma_wait3A_101 = arith.constant 0 : i32
      %dma_wait3A_102 = tpu.memref_slice %arg11[%dma_wait3A_100, %dma_wait3A_101] : memref<128x16xf32, #tpu.memory_space<vmem>> -> memref<128x16xf32, #tpu.memory_space<vmem>>
      tpu.wait_dma2 semaphore(%run_scoped3A : memref<!tpu.dma_semaphore, #tpu.memory_space<semaphore_mem>>) src(%dma_wait3A_102 : memref<128x16xf32, #tpu.memory_space<vmem>>) dst(%dma_wait3A_99 : memref<128x16xf32, #tpu.memory_space<hbm>>)
      tpu.yield
    }) : () -> ()
    %add3A_57 = arith.constant 256 : i32
    %add3A_58 = arith.addi %mul3A_2, %add3A_57 : i32
    "tpu.region"() ({
      %run_scoped3A = tpu.sem_alloc : memref<!tpu.dma_semaphore, #tpu.memory_space<semaphore_mem>>
      %dma_start3A = arith.constant 0 : i32
      %dma_start3A_81 = arith.constant 0 : i32
      %dma_start3A_82 = tpu.memref_slice %arg9[%dma_start3A, %dma_start3A_81] : memref<128x128xf32, #tpu.memory_space<vmem>> -> memref<128x128xf32, #tpu.memory_space<vmem>>
      %dma_start3A_83 = arith.constant 0 : i32
      %dma_start3A_84 = tpu.memref_slice %arg12[%add3A_58, %dma_start3A_83] : memref<10016x128xf32, #tpu.memory_space<vmem_shared>> -> memref<128x128xf32, #tpu.memory_space<vmem_shared>>
      %dma_start3A_85 = arith.constant 0 : i32
      %dma_start3A_86 = arith.constant 0 : i32
      %dma_start3A_87 = tpu.memref_slice %arg9[%dma_start3A_85, %dma_start3A_86] : memref<128x128xf32, #tpu.memory_space<vmem>> -> memref<128x128xf32, #tpu.memory_space<vmem>>
      %dma_start3A_88 = arith.constant 0 : i32
      %dma_start3A_89 = tpu.memref_slice %arg12[%add3A_58, %dma_start3A_88] : memref<10016x128xf32, #tpu.memory_space<vmem_shared>> -> memref<128x128xf32, #tpu.memory_space<vmem_shared>>
      tpu.enqueue_dma source(%dma_start3A_89 : memref<128x128xf32, #tpu.memory_space<vmem_shared>>) target(%dma_start3A_87 : memref<128x128xf32, #tpu.memory_space<vmem>>) target_semaphore(%run_scoped3A : memref<!tpu.dma_semaphore, #tpu.memory_space<semaphore_mem>>)
      %dma_wait3A = arith.constant 0 : i32
      %dma_wait3A_90 = arith.constant 0 : i32
      %dma_wait3A_91 = tpu.memref_slice %arg9[%dma_wait3A, %dma_wait3A_90] : memref<128x128xf32, #tpu.memory_space<vmem>> -> memref<128x128xf32, #tpu.memory_space<vmem>>
      %dma_wait3A_92 = arith.constant 0 : i32
      %dma_wait3A_93 = tpu.memref_slice %arg12[%add3A_58, %dma_wait3A_92] : memref<10016x128xf32, #tpu.memory_space<vmem_shared>> -> memref<128x128xf32, #tpu.memory_space<vmem_shared>>
      %dma_wait3A_94 = arith.constant 0 : i32
      %dma_wait3A_95 = arith.constant 0 : i32
      %dma_wait3A_96 = tpu.memref_slice %arg9[%dma_wait3A_94, %dma_wait3A_95] : memref<128x128xf32, #tpu.memory_space<vmem>> -> memref<128x128xf32, #tpu.memory_space<vmem>>
      %dma_wait3A_97 = arith.constant 0 : i32
      %dma_wait3A_98 = tpu.memref_slice %arg12[%add3A_58, %dma_wait3A_97] : memref<10016x128xf32, #tpu.memory_space<vmem_shared>> -> memref<128x128xf32, #tpu.memory_space<vmem_shared>>
      tpu.wait_dma2 semaphore(%run_scoped3A : memref<!tpu.dma_semaphore, #tpu.memory_space<semaphore_mem>>) src(%dma_wait3A_98 : memref<128x128xf32, #tpu.memory_space<vmem_shared>>) dst(%dma_wait3A_96 : memref<128x128xf32, #tpu.memory_space<vmem>>)
      tpu.yield
    }) : () -> ()
    %add3A_59 = arith.constant 256 : i32
    %add3A_60 = arith.addi %mul3A_2, %add3A_59 : i32
    "tpu.region"() ({
      %run_scoped3A = tpu.sem_alloc : memref<!tpu.dma_semaphore, #tpu.memory_space<semaphore_mem>>
      %dma_start3A = arith.constant 0 : i32
      %dma_start3A_81 = arith.constant 0 : i32
      %dma_start3A_82 = tpu.memref_slice %arg9[%dma_start3A, %dma_start3A_81] : memref<128x128xf32, #tpu.memory_space<vmem>> -> memref<128x128xf32, #tpu.memory_space<vmem>>
      %dma_start3A_83 = arith.constant 0 : i32
      %dma_start3A_84 = tpu.memref_slice %arg5[%arg0, %add3A_60, %dma_start3A_83] : memref<2x10016x128xf32, #tpu.memory_space<hbm>> -> memref<1x128x128xf32, #tpu.memory_space<hbm>>
      %dma_start3A_85 = tpu.memref_squeeze %dma_start3A_84 : memref<1x128x128xf32, #tpu.memory_space<hbm>> -> memref<128x128xf32, #tpu.memory_space<hbm>>
      %dma_start3A_86 = arith.constant 0 : i32
      %dma_start3A_87 = tpu.memref_slice %arg5[%arg0, %add3A_60, %dma_start3A_86] : memref<2x10016x128xf32, #tpu.memory_space<hbm>> -> memref<1x128x128xf32, #tpu.memory_space<hbm>>
      %dma_start3A_88 = tpu.memref_squeeze %dma_start3A_87 : memref<1x128x128xf32, #tpu.memory_space<hbm>> -> memref<128x128xf32, #tpu.memory_space<hbm>>
      %dma_start3A_89 = arith.constant 0 : i32
      %dma_start3A_90 = arith.constant 0 : i32
      %dma_start3A_91 = tpu.memref_slice %arg9[%dma_start3A_89, %dma_start3A_90] : memref<128x128xf32, #tpu.memory_space<vmem>> -> memref<128x128xf32, #tpu.memory_space<vmem>>
      tpu.enqueue_dma source(%dma_start3A_91 : memref<128x128xf32, #tpu.memory_space<vmem>>) target(%dma_start3A_88 : memref<128x128xf32, #tpu.memory_space<hbm>>) target_semaphore(%run_scoped3A : memref<!tpu.dma_semaphore, #tpu.memory_space<semaphore_mem>>)
      %dma_wait3A = arith.constant 0 : i32
      %dma_wait3A_92 = arith.constant 0 : i32
      %dma_wait3A_93 = tpu.memref_slice %arg9[%dma_wait3A, %dma_wait3A_92] : memref<128x128xf32, #tpu.memory_space<vmem>> -> memref<128x128xf32, #tpu.memory_space<vmem>>
      %dma_wait3A_94 = arith.constant 0 : i32
      %dma_wait3A_95 = tpu.memref_slice %arg5[%arg0, %add3A_60, %dma_wait3A_94] : memref<2x10016x128xf32, #tpu.memory_space<hbm>> -> memref<1x128x128xf32, #tpu.memory_space<hbm>>
      %dma_wait3A_96 = tpu.memref_squeeze %dma_wait3A_95 : memref<1x128x128xf32, #tpu.memory_space<hbm>> -> memref<128x128xf32, #tpu.memory_space<hbm>>
      %dma_wait3A_97 = arith.constant 0 : i32
      %dma_wait3A_98 = tpu.memref_slice %arg5[%arg0, %add3A_60, %dma_wait3A_97] : memref<2x10016x128xf32, #tpu.memory_space<hbm>> -> memref<1x128x128xf32, #tpu.memory_space<hbm>>
      %dma_wait3A_99 = tpu.memref_squeeze %dma_wait3A_98 : memref<1x128x128xf32, #tpu.memory_space<hbm>> -> memref<128x128xf32, #tpu.memory_space<hbm>>
      %dma_wait3A_100 = arith.constant 0 : i32
      %dma_wait3A_101 = arith.constant 0 : i32
      %dma_wait3A_102 = tpu.memref_slice %arg9[%dma_wait3A_100, %dma_wait3A_101] : memref<128x128xf32, #tpu.memory_space<vmem>> -> memref<128x128xf32, #tpu.memory_space<vmem>>
      tpu.wait_dma2 semaphore(%run_scoped3A : memref<!tpu.dma_semaphore, #tpu.memory_space<semaphore_mem>>) src(%dma_wait3A_102 : memref<128x128xf32, #tpu.memory_space<vmem>>) dst(%dma_wait3A_99 : memref<128x128xf32, #tpu.memory_space<hbm>>)
      tpu.yield
    }) : () -> ()
    %add3A_61 = arith.constant 256 : i32
    %add3A_62 = arith.addi %mul3A_2, %add3A_61 : i32
    "tpu.region"() ({
      %run_scoped3A = tpu.sem_alloc : memref<!tpu.dma_semaphore, #tpu.memory_space<semaphore_mem>>
      %dma_start3A = arith.constant 0 : i32
      %dma_start3A_81 = arith.constant 0 : i32
      %dma_start3A_82 = tpu.memref_slice %arg11[%dma_start3A, %dma_start3A_81] : memref<128x16xf32, #tpu.memory_space<vmem>> -> memref<128x16xf32, #tpu.memory_space<vmem>>
      %dma_start3A_83 = arith.constant 0 : i32
      %dma_start3A_84 = tpu.memref_slice %arg13[%add3A_62, %dma_start3A_83] : memref<10016x16xf32, #tpu.memory_space<vmem_shared>> -> memref<128x16xf32, #tpu.memory_space<vmem_shared>>
      %dma_start3A_85 = arith.constant 0 : i32
      %dma_start3A_86 = arith.constant 0 : i32
      %dma_start3A_87 = tpu.memref_slice %arg11[%dma_start3A_85, %dma_start3A_86] : memref<128x16xf32, #tpu.memory_space<vmem>> -> memref<128x16xf32, #tpu.memory_space<vmem>>
      %dma_start3A_88 = arith.constant 0 : i32
      %dma_start3A_89 = tpu.memref_slice %arg13[%add3A_62, %dma_start3A_88] : memref<10016x16xf32, #tpu.memory_space<vmem_shared>> -> memref<128x16xf32, #tpu.memory_space<vmem_shared>>
      tpu.enqueue_dma source(%dma_start3A_89 : memref<128x16xf32, #tpu.memory_space<vmem_shared>>) target(%dma_start3A_87 : memref<128x16xf32, #tpu.memory_space<vmem>>) target_semaphore(%run_scoped3A : memref<!tpu.dma_semaphore, #tpu.memory_space<semaphore_mem>>)
      %dma_wait3A = arith.constant 0 : i32
      %dma_wait3A_90 = arith.constant 0 : i32
      %dma_wait3A_91 = tpu.memref_slice %arg11[%dma_wait3A, %dma_wait3A_90] : memref<128x16xf32, #tpu.memory_space<vmem>> -> memref<128x16xf32, #tpu.memory_space<vmem>>
      %dma_wait3A_92 = arith.constant 0 : i32
      %dma_wait3A_93 = tpu.memref_slice %arg13[%add3A_62, %dma_wait3A_92] : memref<10016x16xf32, #tpu.memory_space<vmem_shared>> -> memref<128x16xf32, #tpu.memory_space<vmem_shared>>
      %dma_wait3A_94 = arith.constant 0 : i32
      %dma_wait3A_95 = arith.constant 0 : i32
      %dma_wait3A_96 = tpu.memref_slice %arg11[%dma_wait3A_94, %dma_wait3A_95] : memref<128x16xf32, #tpu.memory_space<vmem>> -> memref<128x16xf32, #tpu.memory_space<vmem>>
      %dma_wait3A_97 = arith.constant 0 : i32
      %dma_wait3A_98 = tpu.memref_slice %arg13[%add3A_62, %dma_wait3A_97] : memref<10016x16xf32, #tpu.memory_space<vmem_shared>> -> memref<128x16xf32, #tpu.memory_space<vmem_shared>>
      tpu.wait_dma2 semaphore(%run_scoped3A : memref<!tpu.dma_semaphore, #tpu.memory_space<semaphore_mem>>) src(%dma_wait3A_98 : memref<128x16xf32, #tpu.memory_space<vmem_shared>>) dst(%dma_wait3A_96 : memref<128x16xf32, #tpu.memory_space<vmem>>)
      tpu.yield
    }) : () -> ()
    %add3A_63 = arith.constant 256 : i32
    %add3A_64 = arith.addi %mul3A_2, %add3A_63 : i32
    "tpu.region"() ({
      %run_scoped3A = tpu.sem_alloc : memref<!tpu.dma_semaphore, #tpu.memory_space<semaphore_mem>>
      %dma_start3A = arith.constant 0 : i32
      %dma_start3A_81 = arith.constant 0 : i32
      %dma_start3A_82 = tpu.memref_slice %arg11[%dma_start3A, %dma_start3A_81] : memref<128x16xf32, #tpu.memory_space<vmem>> -> memref<128x16xf32, #tpu.memory_space<vmem>>
      %dma_start3A_83 = arith.constant 0 : i32
      %dma_start3A_84 = tpu.memref_slice %arg6[%arg0, %add3A_64, %dma_start3A_83] : memref<2x10016x16xf32, #tpu.memory_space<hbm>> -> memref<1x128x16xf32, #tpu.memory_space<hbm>>
      %dma_start3A_85 = tpu.memref_squeeze %dma_start3A_84 : memref<1x128x16xf32, #tpu.memory_space<hbm>> -> memref<128x16xf32, #tpu.memory_space<hbm>>
      %dma_start3A_86 = arith.constant 0 : i32
      %dma_start3A_87 = tpu.memref_slice %arg6[%arg0, %add3A_64, %dma_start3A_86] : memref<2x10016x16xf32, #tpu.memory_space<hbm>> -> memref<1x128x16xf32, #tpu.memory_space<hbm>>
      %dma_start3A_88 = tpu.memref_squeeze %dma_start3A_87 : memref<1x128x16xf32, #tpu.memory_space<hbm>> -> memref<128x16xf32, #tpu.memory_space<hbm>>
      %dma_start3A_89 = arith.constant 0 : i32
      %dma_start3A_90 = arith.constant 0 : i32
      %dma_start3A_91 = tpu.memref_slice %arg11[%dma_start3A_89, %dma_start3A_90] : memref<128x16xf32, #tpu.memory_space<vmem>> -> memref<128x16xf32, #tpu.memory_space<vmem>>
      tpu.enqueue_dma source(%dma_start3A_91 : memref<128x16xf32, #tpu.memory_space<vmem>>) target(%dma_start3A_88 : memref<128x16xf32, #tpu.memory_space<hbm>>) target_semaphore(%run_scoped3A : memref<!tpu.dma_semaphore, #tpu.memory_space<semaphore_mem>>)
      %dma_wait3A = arith.constant 0 : i32
      %dma_wait3A_92 = arith.constant 0 : i32
      %dma_wait3A_93 = tpu.memref_slice %arg11[%dma_wait3A, %dma_wait3A_92] : memref<128x16xf32, #tpu.memory_space<vmem>> -> memref<128x16xf32, #tpu.memory_space<vmem>>
      %dma_wait3A_94 = arith.constant 0 : i32
      %dma_wait3A_95 = tpu.memref_slice %arg6[%arg0, %add3A_64, %dma_wait3A_94] : memref<2x10016x16xf32, #tpu.memory_space<hbm>> -> memref<1x128x16xf32, #tpu.memory_space<hbm>>
      %dma_wait3A_96 = tpu.memref_squeeze %dma_wait3A_95 : memref<1x128x16xf32, #tpu.memory_space<hbm>> -> memref<128x16xf32, #tpu.memory_space<hbm>>
      %dma_wait3A_97 = arith.constant 0 : i32
      %dma_wait3A_98 = tpu.memref_slice %arg6[%arg0, %add3A_64, %dma_wait3A_97] : memref<2x10016x16xf32, #tpu.memory_space<hbm>> -> memref<1x128x16xf32, #tpu.memory_space<hbm>>
      %dma_wait3A_99 = tpu.memref_squeeze %dma_wait3A_98 : memref<1x128x16xf32, #tpu.memory_space<hbm>> -> memref<128x16xf32, #tpu.memory_space<hbm>>
      %dma_wait3A_100 = arith.constant 0 : i32
      %dma_wait3A_101 = arith.constant 0 : i32
      %dma_wait3A_102 = tpu.memref_slice %arg11[%dma_wait3A_100, %dma_wait3A_101] : memref<128x16xf32, #tpu.memory_space<vmem>> -> memref<128x16xf32, #tpu.memory_space<vmem>>
      tpu.wait_dma2 semaphore(%run_scoped3A : memref<!tpu.dma_semaphore, #tpu.memory_space<semaphore_mem>>) src(%dma_wait3A_102 : memref<128x16xf32, #tpu.memory_space<vmem>>) dst(%dma_wait3A_99 : memref<128x16xf32, #tpu.memory_space<hbm>>)
      tpu.yield
    }) : () -> ()
    %add3A_65 = arith.constant 384 : i32
    %add3A_66 = arith.addi %mul3A_2, %add3A_65 : i32
    "tpu.region"() ({
      %run_scoped3A = tpu.sem_alloc : memref<!tpu.dma_semaphore, #tpu.memory_space<semaphore_mem>>
      %dma_start3A = arith.constant 0 : i32
      %dma_start3A_81 = arith.constant 0 : i32
      %dma_start3A_82 = tpu.memref_slice %arg9[%dma_start3A, %dma_start3A_81] : memref<128x128xf32, #tpu.memory_space<vmem>> -> memref<128x128xf32, #tpu.memory_space<vmem>>
      %dma_start3A_83 = arith.constant 0 : i32
      %dma_start3A_84 = tpu.memref_slice %arg12[%add3A_66, %dma_start3A_83] : memref<10016x128xf32, #tpu.memory_space<vmem_shared>> -> memref<128x128xf32, #tpu.memory_space<vmem_shared>>
      %dma_start3A_85 = arith.constant 0 : i32
      %dma_start3A_86 = arith.constant 0 : i32
      %dma_start3A_87 = tpu.memref_slice %arg9[%dma_start3A_85, %dma_start3A_86] : memref<128x128xf32, #tpu.memory_space<vmem>> -> memref<128x128xf32, #tpu.memory_space<vmem>>
      %dma_start3A_88 = arith.constant 0 : i32
      %dma_start3A_89 = tpu.memref_slice %arg12[%add3A_66, %dma_start3A_88] : memref<10016x128xf32, #tpu.memory_space<vmem_shared>> -> memref<128x128xf32, #tpu.memory_space<vmem_shared>>
      tpu.enqueue_dma source(%dma_start3A_89 : memref<128x128xf32, #tpu.memory_space<vmem_shared>>) target(%dma_start3A_87 : memref<128x128xf32, #tpu.memory_space<vmem>>) target_semaphore(%run_scoped3A : memref<!tpu.dma_semaphore, #tpu.memory_space<semaphore_mem>>)
      %dma_wait3A = arith.constant 0 : i32
      %dma_wait3A_90 = arith.constant 0 : i32
      %dma_wait3A_91 = tpu.memref_slice %arg9[%dma_wait3A, %dma_wait3A_90] : memref<128x128xf32, #tpu.memory_space<vmem>> -> memref<128x128xf32, #tpu.memory_space<vmem>>
      %dma_wait3A_92 = arith.constant 0 : i32
      %dma_wait3A_93 = tpu.memref_slice %arg12[%add3A_66, %dma_wait3A_92] : memref<10016x128xf32, #tpu.memory_space<vmem_shared>> -> memref<128x128xf32, #tpu.memory_space<vmem_shared>>
      %dma_wait3A_94 = arith.constant 0 : i32
      %dma_wait3A_95 = arith.constant 0 : i32
      %dma_wait3A_96 = tpu.memref_slice %arg9[%dma_wait3A_94, %dma_wait3A_95] : memref<128x128xf32, #tpu.memory_space<vmem>> -> memref<128x128xf32, #tpu.memory_space<vmem>>
      %dma_wait3A_97 = arith.constant 0 : i32
      %dma_wait3A_98 = tpu.memref_slice %arg12[%add3A_66, %dma_wait3A_97] : memref<10016x128xf32, #tpu.memory_space<vmem_shared>> -> memref<128x128xf32, #tpu.memory_space<vmem_shared>>
      tpu.wait_dma2 semaphore(%run_scoped3A : memref<!tpu.dma_semaphore, #tpu.memory_space<semaphore_mem>>) src(%dma_wait3A_98 : memref<128x128xf32, #tpu.memory_space<vmem_shared>>) dst(%dma_wait3A_96 : memref<128x128xf32, #tpu.memory_space<vmem>>)
      tpu.yield
    }) : () -> ()
    %add3A_67 = arith.constant 384 : i32
    %add3A_68 = arith.addi %mul3A_2, %add3A_67 : i32
    "tpu.region"() ({
      %run_scoped3A = tpu.sem_alloc : memref<!tpu.dma_semaphore, #tpu.memory_space<semaphore_mem>>
      %dma_start3A = arith.constant 0 : i32
      %dma_start3A_81 = arith.constant 0 : i32
      %dma_start3A_82 = tpu.memref_slice %arg9[%dma_start3A, %dma_start3A_81] : memref<128x128xf32, #tpu.memory_space<vmem>> -> memref<128x128xf32, #tpu.memory_space<vmem>>
      %dma_start3A_83 = arith.constant 0 : i32
      %dma_start3A_84 = tpu.memref_slice %arg5[%arg0, %add3A_68, %dma_start3A_83] : memref<2x10016x128xf32, #tpu.memory_space<hbm>> -> memref<1x128x128xf32, #tpu.memory_space<hbm>>
      %dma_start3A_85 = tpu.memref_squeeze %dma_start3A_84 : memref<1x128x128xf32, #tpu.memory_space<hbm>> -> memref<128x128xf32, #tpu.memory_space<hbm>>
      %dma_start3A_86 = arith.constant 0 : i32
      %dma_start3A_87 = tpu.memref_slice %arg5[%arg0, %add3A_68, %dma_start3A_86] : memref<2x10016x128xf32, #tpu.memory_space<hbm>> -> memref<1x128x128xf32, #tpu.memory_space<hbm>>
      %dma_start3A_88 = tpu.memref_squeeze %dma_start3A_87 : memref<1x128x128xf32, #tpu.memory_space<hbm>> -> memref<128x128xf32, #tpu.memory_space<hbm>>
      %dma_start3A_89 = arith.constant 0 : i32
      %dma_start3A_90 = arith.constant 0 : i32
      %dma_start3A_91 = tpu.memref_slice %arg9[%dma_start3A_89, %dma_start3A_90] : memref<128x128xf32, #tpu.memory_space<vmem>> -> memref<128x128xf32, #tpu.memory_space<vmem>>
      tpu.enqueue_dma source(%dma_start3A_91 : memref<128x128xf32, #tpu.memory_space<vmem>>) target(%dma_start3A_88 : memref<128x128xf32, #tpu.memory_space<hbm>>) target_semaphore(%run_scoped3A : memref<!tpu.dma_semaphore, #tpu.memory_space<semaphore_mem>>)
      %dma_wait3A = arith.constant 0 : i32
      %dma_wait3A_92 = arith.constant 0 : i32
      %dma_wait3A_93 = tpu.memref_slice %arg9[%dma_wait3A, %dma_wait3A_92] : memref<128x128xf32, #tpu.memory_space<vmem>> -> memref<128x128xf32, #tpu.memory_space<vmem>>
      %dma_wait3A_94 = arith.constant 0 : i32
      %dma_wait3A_95 = tpu.memref_slice %arg5[%arg0, %add3A_68, %dma_wait3A_94] : memref<2x10016x128xf32, #tpu.memory_space<hbm>> -> memref<1x128x128xf32, #tpu.memory_space<hbm>>
      %dma_wait3A_96 = tpu.memref_squeeze %dma_wait3A_95 : memref<1x128x128xf32, #tpu.memory_space<hbm>> -> memref<128x128xf32, #tpu.memory_space<hbm>>
      %dma_wait3A_97 = arith.constant 0 : i32
      %dma_wait3A_98 = tpu.memref_slice %arg5[%arg0, %add3A_68, %dma_wait3A_97] : memref<2x10016x128xf32, #tpu.memory_space<hbm>> -> memref<1x128x128xf32, #tpu.memory_space<hbm>>
      %dma_wait3A_99 = tpu.memref_squeeze %dma_wait3A_98 : memref<1x128x128xf32, #tpu.memory_space<hbm>> -> memref<128x128xf32, #tpu.memory_space<hbm>>
      %dma_wait3A_100 = arith.constant 0 : i32
      %dma_wait3A_101 = arith.constant 0 : i32
      %dma_wait3A_102 = tpu.memref_slice %arg9[%dma_wait3A_100, %dma_wait3A_101] : memref<128x128xf32, #tpu.memory_space<vmem>> -> memref<128x128xf32, #tpu.memory_space<vmem>>
      tpu.wait_dma2 semaphore(%run_scoped3A : memref<!tpu.dma_semaphore, #tpu.memory_space<semaphore_mem>>) src(%dma_wait3A_102 : memref<128x128xf32, #tpu.memory_space<vmem>>) dst(%dma_wait3A_99 : memref<128x128xf32, #tpu.memory_space<hbm>>)
      tpu.yield
    }) : () -> ()
    %add3A_69 = arith.constant 384 : i32
    %add3A_70 = arith.addi %mul3A_2, %add3A_69 : i32
    "tpu.region"() ({
      %run_scoped3A = tpu.sem_alloc : memref<!tpu.dma_semaphore, #tpu.memory_space<semaphore_mem>>
      %dma_start3A = arith.constant 0 : i32
      %dma_start3A_81 = arith.constant 0 : i32
      %dma_start3A_82 = tpu.memref_slice %arg11[%dma_start3A, %dma_start3A_81] : memref<128x16xf32, #tpu.memory_space<vmem>> -> memref<128x16xf32, #tpu.memory_space<vmem>>
      %dma_start3A_83 = arith.constant 0 : i32
      %dma_start3A_84 = tpu.memref_slice %arg13[%add3A_70, %dma_start3A_83] : memref<10016x16xf32, #tpu.memory_space<vmem_shared>> -> memref<128x16xf32, #tpu.memory_space<vmem_shared>>
      %dma_start3A_85 = arith.constant 0 : i32
      %dma_start3A_86 = arith.constant 0 : i32
      %dma_start3A_87 = tpu.memref_slice %arg11[%dma_start3A_85, %dma_start3A_86] : memref<128x16xf32, #tpu.memory_space<vmem>> -> memref<128x16xf32, #tpu.memory_space<vmem>>
      %dma_start3A_88 = arith.constant 0 : i32
      %dma_start3A_89 = tpu.memref_slice %arg13[%add3A_70, %dma_start3A_88] : memref<10016x16xf32, #tpu.memory_space<vmem_shared>> -> memref<128x16xf32, #tpu.memory_space<vmem_shared>>
      tpu.enqueue_dma source(%dma_start3A_89 : memref<128x16xf32, #tpu.memory_space<vmem_shared>>) target(%dma_start3A_87 : memref<128x16xf32, #tpu.memory_space<vmem>>) target_semaphore(%run_scoped3A : memref<!tpu.dma_semaphore, #tpu.memory_space<semaphore_mem>>)
      %dma_wait3A = arith.constant 0 : i32
      %dma_wait3A_90 = arith.constant 0 : i32
      %dma_wait3A_91 = tpu.memref_slice %arg11[%dma_wait3A, %dma_wait3A_90] : memref<128x16xf32, #tpu.memory_space<vmem>> -> memref<128x16xf32, #tpu.memory_space<vmem>>
      %dma_wait3A_92 = arith.constant 0 : i32
      %dma_wait3A_93 = tpu.memref_slice %arg13[%add3A_70, %dma_wait3A_92] : memref<10016x16xf32, #tpu.memory_space<vmem_shared>> -> memref<128x16xf32, #tpu.memory_space<vmem_shared>>
      %dma_wait3A_94 = arith.constant 0 : i32
      %dma_wait3A_95 = arith.constant 0 : i32
      %dma_wait3A_96 = tpu.memref_slice %arg11[%dma_wait3A_94, %dma_wait3A_95] : memref<128x16xf32, #tpu.memory_space<vmem>> -> memref<128x16xf32, #tpu.memory_space<vmem>>
      %dma_wait3A_97 = arith.constant 0 : i32
      %dma_wait3A_98 = tpu.memref_slice %arg13[%add3A_70, %dma_wait3A_97] : memref<10016x16xf32, #tpu.memory_space<vmem_shared>> -> memref<128x16xf32, #tpu.memory_space<vmem_shared>>
      tpu.wait_dma2 semaphore(%run_scoped3A : memref<!tpu.dma_semaphore, #tpu.memory_space<semaphore_mem>>) src(%dma_wait3A_98 : memref<128x16xf32, #tpu.memory_space<vmem_shared>>) dst(%dma_wait3A_96 : memref<128x16xf32, #tpu.memory_space<vmem>>)
      tpu.yield
    }) : () -> ()
    %add3A_71 = arith.constant 384 : i32
    %add3A_72 = arith.addi %mul3A_2, %add3A_71 : i32
    "tpu.region"() ({
      %run_scoped3A = tpu.sem_alloc : memref<!tpu.dma_semaphore, #tpu.memory_space<semaphore_mem>>
      %dma_start3A = arith.constant 0 : i32
      %dma_start3A_81 = arith.constant 0 : i32
      %dma_start3A_82 = tpu.memref_slice %arg11[%dma_start3A, %dma_start3A_81] : memref<128x16xf32, #tpu.memory_space<vmem>> -> memref<128x16xf32, #tpu.memory_space<vmem>>
      %dma_start3A_83 = arith.constant 0 : i32
      %dma_start3A_84 = tpu.memref_slice %arg6[%arg0, %add3A_72, %dma_start3A_83] : memref<2x10016x16xf32, #tpu.memory_space<hbm>> -> memref<1x128x16xf32, #tpu.memory_space<hbm>>
      %dma_start3A_85 = tpu.memref_squeeze %dma_start3A_84 : memref<1x128x16xf32, #tpu.memory_space<hbm>> -> memref<128x16xf32, #tpu.memory_space<hbm>>
      %dma_start3A_86 = arith.constant 0 : i32
      %dma_start3A_87 = tpu.memref_slice %arg6[%arg0, %add3A_72, %dma_start3A_86] : memref<2x10016x16xf32, #tpu.memory_space<hbm>> -> memref<1x128x16xf32, #tpu.memory_space<hbm>>
      %dma_start3A_88 = tpu.memref_squeeze %dma_start3A_87 : memref<1x128x16xf32, #tpu.memory_space<hbm>> -> memref<128x16xf32, #tpu.memory_space<hbm>>
      %dma_start3A_89 = arith.constant 0 : i32
      %dma_start3A_90 = arith.constant 0 : i32
      %dma_start3A_91 = tpu.memref_slice %arg11[%dma_start3A_89, %dma_start3A_90] : memref<128x16xf32, #tpu.memory_space<vmem>> -> memref<128x16xf32, #tpu.memory_space<vmem>>
      tpu.enqueue_dma source(%dma_start3A_91 : memref<128x16xf32, #tpu.memory_space<vmem>>) target(%dma_start3A_88 : memref<128x16xf32, #tpu.memory_space<hbm>>) target_semaphore(%run_scoped3A : memref<!tpu.dma_semaphore, #tpu.memory_space<semaphore_mem>>)
      %dma_wait3A = arith.constant 0 : i32
      %dma_wait3A_92 = arith.constant 0 : i32
      %dma_wait3A_93 = tpu.memref_slice %arg11[%dma_wait3A, %dma_wait3A_92] : memref<128x16xf32, #tpu.memory_space<vmem>> -> memref<128x16xf32, #tpu.memory_space<vmem>>
      %dma_wait3A_94 = arith.constant 0 : i32
      %dma_wait3A_95 = tpu.memref_slice %arg6[%arg0, %add3A_72, %dma_wait3A_94] : memref<2x10016x16xf32, #tpu.memory_space<hbm>> -> memref<1x128x16xf32, #tpu.memory_space<hbm>>
      %dma_wait3A_96 = tpu.memref_squeeze %dma_wait3A_95 : memref<1x128x16xf32, #tpu.memory_space<hbm>> -> memref<128x16xf32, #tpu.memory_space<hbm>>
      %dma_wait3A_97 = arith.constant 0 : i32
      %dma_wait3A_98 = tpu.memref_slice %arg6[%arg0, %add3A_72, %dma_wait3A_97] : memref<2x10016x16xf32, #tpu.memory_space<hbm>> -> memref<1x128x16xf32, #tpu.memory_space<hbm>>
      %dma_wait3A_99 = tpu.memref_squeeze %dma_wait3A_98 : memref<1x128x16xf32, #tpu.memory_space<hbm>> -> memref<128x16xf32, #tpu.memory_space<hbm>>
      %dma_wait3A_100 = arith.constant 0 : i32
      %dma_wait3A_101 = arith.constant 0 : i32
      %dma_wait3A_102 = tpu.memref_slice %arg11[%dma_wait3A_100, %dma_wait3A_101] : memref<128x16xf32, #tpu.memory_space<vmem>> -> memref<128x16xf32, #tpu.memory_space<vmem>>
      tpu.wait_dma2 semaphore(%run_scoped3A : memref<!tpu.dma_semaphore, #tpu.memory_space<semaphore_mem>>) src(%dma_wait3A_102 : memref<128x16xf32, #tpu.memory_space<vmem>>) dst(%dma_wait3A_99 : memref<128x16xf32, #tpu.memory_space<hbm>>)
      tpu.yield
    }) : () -> ()
    %add3A_73 = arith.constant 512 : i32
    %add3A_74 = arith.addi %mul3A_2, %add3A_73 : i32
    "tpu.region"() ({
      %run_scoped3A = tpu.sem_alloc : memref<!tpu.dma_semaphore, #tpu.memory_space<semaphore_mem>>
      %dma_start3A = arith.constant 0 : i32
      %dma_start3A_81 = arith.constant 0 : i32
      %dma_start3A_82 = tpu.memref_slice %arg9[%dma_start3A, %dma_start3A_81] : memref<128x128xf32, #tpu.memory_space<vmem>> -> memref<114x128xf32, #tpu.memory_space<vmem>>
      %dma_start3A_83 = arith.constant 0 : i32
      %dma_start3A_84 = tpu.memref_slice %arg12[%add3A_74, %dma_start3A_83] : memref<10016x128xf32, #tpu.memory_space<vmem_shared>> -> memref<114x128xf32, #tpu.memory_space<vmem_shared>>
      %dma_start3A_85 = arith.constant 0 : i32
      %dma_start3A_86 = arith.constant 0 : i32
      %dma_start3A_87 = tpu.memref_slice %arg9[%dma_start3A_85, %dma_start3A_86] : memref<128x128xf32, #tpu.memory_space<vmem>> -> memref<114x128xf32, #tpu.memory_space<vmem>>
      %dma_start3A_88 = arith.constant 0 : i32
      %dma_start3A_89 = tpu.memref_slice %arg12[%add3A_74, %dma_start3A_88] : memref<10016x128xf32, #tpu.memory_space<vmem_shared>> -> memref<114x128xf32, #tpu.memory_space<vmem_shared>>
      tpu.enqueue_dma source(%dma_start3A_89 : memref<114x128xf32, #tpu.memory_space<vmem_shared>>) target(%dma_start3A_87 : memref<114x128xf32, #tpu.memory_space<vmem>>) target_semaphore(%run_scoped3A : memref<!tpu.dma_semaphore, #tpu.memory_space<semaphore_mem>>)
      %dma_wait3A = arith.constant 0 : i32
      %dma_wait3A_90 = arith.constant 0 : i32
      %dma_wait3A_91 = tpu.memref_slice %arg9[%dma_wait3A, %dma_wait3A_90] : memref<128x128xf32, #tpu.memory_space<vmem>> -> memref<114x128xf32, #tpu.memory_space<vmem>>
      %dma_wait3A_92 = arith.constant 0 : i32
      %dma_wait3A_93 = tpu.memref_slice %arg12[%add3A_74, %dma_wait3A_92] : memref<10016x128xf32, #tpu.memory_space<vmem_shared>> -> memref<114x128xf32, #tpu.memory_space<vmem_shared>>
      %dma_wait3A_94 = arith.constant 0 : i32
      %dma_wait3A_95 = arith.constant 0 : i32
      %dma_wait3A_96 = tpu.memref_slice %arg9[%dma_wait3A_94, %dma_wait3A_95] : memref<128x128xf32, #tpu.memory_space<vmem>> -> memref<114x128xf32, #tpu.memory_space<vmem>>
      %dma_wait3A_97 = arith.constant 0 : i32
      %dma_wait3A_98 = tpu.memref_slice %arg12[%add3A_74, %dma_wait3A_97] : memref<10016x128xf32, #tpu.memory_space<vmem_shared>> -> memref<114x128xf32, #tpu.memory_space<vmem_shared>>
      tpu.wait_dma2 semaphore(%run_scoped3A : memref<!tpu.dma_semaphore, #tpu.memory_space<semaphore_mem>>) src(%dma_wait3A_98 : memref<114x128xf32, #tpu.memory_space<vmem_shared>>) dst(%dma_wait3A_96 : memref<114x128xf32, #tpu.memory_space<vmem>>)
      tpu.yield
    }) : () -> ()
    %add3A_75 = arith.constant 512 : i32
    %add3A_76 = arith.addi %mul3A_2, %add3A_75 : i32
    "tpu.region"() ({
      %run_scoped3A = tpu.sem_alloc : memref<!tpu.dma_semaphore, #tpu.memory_space<semaphore_mem>>
      %dma_start3A = arith.constant 0 : i32
      %dma_start3A_81 = arith.constant 0 : i32
      %dma_start3A_82 = tpu.memref_slice %arg9[%dma_start3A, %dma_start3A_81] : memref<128x128xf32, #tpu.memory_space<vmem>> -> memref<114x128xf32, #tpu.memory_space<vmem>>
      %dma_start3A_83 = arith.constant 0 : i32
      %dma_start3A_84 = tpu.memref_slice %arg5[%arg0, %add3A_76, %dma_start3A_83] : memref<2x10016x128xf32, #tpu.memory_space<hbm>> -> memref<1x114x128xf32, #tpu.memory_space<hbm>>
      %dma_start3A_85 = tpu.memref_squeeze %dma_start3A_84 : memref<1x114x128xf32, #tpu.memory_space<hbm>> -> memref<114x128xf32, #tpu.memory_space<hbm>>
      %dma_start3A_86 = arith.constant 0 : i32
      %dma_start3A_87 = tpu.memref_slice %arg5[%arg0, %add3A_76, %dma_start3A_86] : memref<2x10016x128xf32, #tpu.memory_space<hbm>> -> memref<1x114x128xf32, #tpu.memory_space<hbm>>
      %dma_start3A_88 = tpu.memref_squeeze %dma_start3A_87 : memref<1x114x128xf32, #tpu.memory_space<hbm>> -> memref<114x128xf32, #tpu.memory_space<hbm>>
      %dma_start3A_89 = arith.constant 0 : i32
      %dma_start3A_90 = arith.constant 0 : i32
      %dma_start3A_91 = tpu.memref_slice %arg9[%dma_start3A_89, %dma_start3A_90] : memref<128x128xf32, #tpu.memory_space<vmem>> -> memref<114x128xf32, #tpu.memory_space<vmem>>
      tpu.enqueue_dma source(%dma_start3A_91 : memref<114x128xf32, #tpu.memory_space<vmem>>) target(%dma_start3A_88 : memref<114x128xf32, #tpu.memory_space<hbm>>) target_semaphore(%run_scoped3A : memref<!tpu.dma_semaphore, #tpu.memory_space<semaphore_mem>>)
      %dma_wait3A = arith.constant 0 : i32
      %dma_wait3A_92 = arith.constant 0 : i32
      %dma_wait3A_93 = tpu.memref_slice %arg9[%dma_wait3A, %dma_wait3A_92] : memref<128x128xf32, #tpu.memory_space<vmem>> -> memref<114x128xf32, #tpu.memory_space<vmem>>
      %dma_wait3A_94 = arith.constant 0 : i32
      %dma_wait3A_95 = tpu.memref_slice %arg5[%arg0, %add3A_76, %dma_wait3A_94] : memref<2x10016x128xf32, #tpu.memory_space<hbm>> -> memref<1x114x128xf32, #tpu.memory_space<hbm>>
      %dma_wait3A_96 = tpu.memref_squeeze %dma_wait3A_95 : memref<1x114x128xf32, #tpu.memory_space<hbm>> -> memref<114x128xf32, #tpu.memory_space<hbm>>
      %dma_wait3A_97 = arith.constant 0 : i32
      %dma_wait3A_98 = tpu.memref_slice %arg5[%arg0, %add3A_76, %dma_wait3A_97] : memref<2x10016x128xf32, #tpu.memory_space<hbm>> -> memref<1x114x128xf32, #tpu.memory_space<hbm>>
      %dma_wait3A_99 = tpu.memref_squeeze %dma_wait3A_98 : memref<1x114x128xf32, #tpu.memory_space<hbm>> -> memref<114x128xf32, #tpu.memory_space<hbm>>
      %dma_wait3A_100 = arith.constant 0 : i32
      %dma_wait3A_101 = arith.constant 0 : i32
      %dma_wait3A_102 = tpu.memref_slice %arg9[%dma_wait3A_100, %dma_wait3A_101] : memref<128x128xf32, #tpu.memory_space<vmem>> -> memref<114x128xf32, #tpu.memory_space<vmem>>
      tpu.wait_dma2 semaphore(%run_scoped3A : memref<!tpu.dma_semaphore, #tpu.memory_space<semaphore_mem>>) src(%dma_wait3A_102 : memref<114x128xf32, #tpu.memory_space<vmem>>) dst(%dma_wait3A_99 : memref<114x128xf32, #tpu.memory_space<hbm>>)
      tpu.yield
    }) : () -> ()
    %add3A_77 = arith.constant 512 : i32
    %add3A_78 = arith.addi %mul3A_2, %add3A_77 : i32
    "tpu.region"() ({
      %run_scoped3A = tpu.sem_alloc : memref<!tpu.dma_semaphore, #tpu.memory_space<semaphore_mem>>
      %dma_start3A = arith.constant 0 : i32
      %dma_start3A_81 = arith.constant 0 : i32
      %dma_start3A_82 = tpu.memref_slice %arg11[%dma_start3A, %dma_start3A_81] : memref<128x16xf32, #tpu.memory_space<vmem>> -> memref<114x16xf32, #tpu.memory_space<vmem>>
      %dma_start3A_83 = arith.constant 0 : i32
      %dma_start3A_84 = tpu.memref_slice %arg13[%add3A_78, %dma_start3A_83] : memref<10016x16xf32, #tpu.memory_space<vmem_shared>> -> memref<114x16xf32, #tpu.memory_space<vmem_shared>>
      %dma_start3A_85 = arith.constant 0 : i32
      %dma_start3A_86 = arith.constant 0 : i32
      %dma_start3A_87 = tpu.memref_slice %arg11[%dma_start3A_85, %dma_start3A_86] : memref<128x16xf32, #tpu.memory_space<vmem>> -> memref<114x16xf32, #tpu.memory_space<vmem>>
      %dma_start3A_88 = arith.constant 0 : i32
      %dma_start3A_89 = tpu.memref_slice %arg13[%add3A_78, %dma_start3A_88] : memref<10016x16xf32, #tpu.memory_space<vmem_shared>> -> memref<114x16xf32, #tpu.memory_space<vmem_shared>>
      tpu.enqueue_dma source(%dma_start3A_89 : memref<114x16xf32, #tpu.memory_space<vmem_shared>>) target(%dma_start3A_87 : memref<114x16xf32, #tpu.memory_space<vmem>>) target_semaphore(%run_scoped3A : memref<!tpu.dma_semaphore, #tpu.memory_space<semaphore_mem>>)
      %dma_wait3A = arith.constant 0 : i32
      %dma_wait3A_90 = arith.constant 0 : i32
      %dma_wait3A_91 = tpu.memref_slice %arg11[%dma_wait3A, %dma_wait3A_90] : memref<128x16xf32, #tpu.memory_space<vmem>> -> memref<114x16xf32, #tpu.memory_space<vmem>>
      %dma_wait3A_92 = arith.constant 0 : i32
      %dma_wait3A_93 = tpu.memref_slice %arg13[%add3A_78, %dma_wait3A_92] : memref<10016x16xf32, #tpu.memory_space<vmem_shared>> -> memref<114x16xf32, #tpu.memory_space<vmem_shared>>
      %dma_wait3A_94 = arith.constant 0 : i32
      %dma_wait3A_95 = arith.constant 0 : i32
      %dma_wait3A_96 = tpu.memref_slice %arg11[%dma_wait3A_94, %dma_wait3A_95] : memref<128x16xf32, #tpu.memory_space<vmem>> -> memref<114x16xf32, #tpu.memory_space<vmem>>
      %dma_wait3A_97 = arith.constant 0 : i32
      %dma_wait3A_98 = tpu.memref_slice %arg13[%add3A_78, %dma_wait3A_97] : memref<10016x16xf32, #tpu.memory_space<vmem_shared>> -> memref<114x16xf32, #tpu.memory_space<vmem_shared>>
      tpu.wait_dma2 semaphore(%run_scoped3A : memref<!tpu.dma_semaphore, #tpu.memory_space<semaphore_mem>>) src(%dma_wait3A_98 : memref<114x16xf32, #tpu.memory_space<vmem_shared>>) dst(%dma_wait3A_96 : memref<114x16xf32, #tpu.memory_space<vmem>>)
      tpu.yield
    }) : () -> ()
    %add3A_79 = arith.constant 512 : i32
    %add3A_80 = arith.addi %mul3A_2, %add3A_79 : i32
    "tpu.region"() ({
      %run_scoped3A = tpu.sem_alloc : memref<!tpu.dma_semaphore, #tpu.memory_space<semaphore_mem>>
      %dma_start3A = arith.constant 0 : i32
      %dma_start3A_81 = arith.constant 0 : i32
      %dma_start3A_82 = tpu.memref_slice %arg11[%dma_start3A, %dma_start3A_81] : memref<128x16xf32, #tpu.memory_space<vmem>> -> memref<114x16xf32, #tpu.memory_space<vmem>>
      %dma_start3A_83 = arith.constant 0 : i32
      %dma_start3A_84 = tpu.memref_slice %arg6[%arg0, %add3A_80, %dma_start3A_83] : memref<2x10016x16xf32, #tpu.memory_space<hbm>> -> memref<1x114x16xf32, #tpu.memory_space<hbm>>
      %dma_start3A_85 = tpu.memref_squeeze %dma_start3A_84 : memref<1x114x16xf32, #tpu.memory_space<hbm>> -> memref<114x16xf32, #tpu.memory_space<hbm>>
      %dma_start3A_86 = arith.constant 0 : i32
      %dma_start3A_87 = tpu.memref_slice %arg6[%arg0, %add3A_80, %dma_start3A_86] : memref<2x10016x16xf32, #tpu.memory_space<hbm>> -> memref<1x114x16xf32, #tpu.memory_space<hbm>>
      %dma_start3A_88 = tpu.memref_squeeze %dma_start3A_87 : memref<1x114x16xf32, #tpu.memory_space<hbm>> -> memref<114x16xf32, #tpu.memory_space<hbm>>
      %dma_start3A_89 = arith.constant 0 : i32
      %dma_start3A_90 = arith.constant 0 : i32
      %dma_start3A_91 = tpu.memref_slice %arg11[%dma_start3A_89, %dma_start3A_90] : memref<128x16xf32, #tpu.memory_space<vmem>> -> memref<114x16xf32, #tpu.memory_space<vmem>>
      tpu.enqueue_dma source(%dma_start3A_91 : memref<114x16xf32, #tpu.memory_space<vmem>>) target(%dma_start3A_88 : memref<114x16xf32, #tpu.memory_space<hbm>>) target_semaphore(%run_scoped3A : memref<!tpu.dma_semaphore, #tpu.memory_space<semaphore_mem>>)
      %dma_wait3A = arith.constant 0 : i32
      %dma_wait3A_92 = arith.constant 0 : i32
      %dma_wait3A_93 = tpu.memref_slice %arg11[%dma_wait3A, %dma_wait3A_92] : memref<128x16xf32, #tpu.memory_space<vmem>> -> memref<114x16xf32, #tpu.memory_space<vmem>>
      %dma_wait3A_94 = arith.constant 0 : i32
      %dma_wait3A_95 = tpu.memref_slice %arg6[%arg0, %add3A_80, %dma_wait3A_94] : memref<2x10016x16xf32, #tpu.memory_space<hbm>> -> memref<1x114x16xf32, #tpu.memory_space<hbm>>
      %dma_wait3A_96 = tpu.memref_squeeze %dma_wait3A_95 : memref<1x114x16xf32, #tpu.memory_space<hbm>> -> memref<114x16xf32, #tpu.memory_space<hbm>>
      %dma_wait3A_97 = arith.constant 0 : i32
      %dma_wait3A_98 = tpu.memref_slice %arg6[%arg0, %add3A_80, %dma_wait3A_97] : memref<2x10016x16xf32, #tpu.memory_space<hbm>> -> memref<1x114x16xf32, #tpu.memory_space<hbm>>
      %dma_wait3A_99 = tpu.memref_squeeze %dma_wait3A_98 : memref<1x114x16xf32, #tpu.memory_space<hbm>> -> memref<114x16xf32, #tpu.memory_space<hbm>>
      %dma_wait3A_100 = arith.constant 0 : i32
      %dma_wait3A_101 = arith.constant 0 : i32
      %dma_wait3A_102 = tpu.memref_slice %arg11[%dma_wait3A_100, %dma_wait3A_101] : memref<128x16xf32, #tpu.memory_space<vmem>> -> memref<114x16xf32, #tpu.memory_space<vmem>>
      tpu.wait_dma2 semaphore(%run_scoped3A : memref<!tpu.dma_semaphore, #tpu.memory_space<semaphore_mem>>) src(%dma_wait3A_102 : memref<114x16xf32, #tpu.memory_space<vmem>>) dst(%dma_wait3A_99 : memref<114x16xf32, #tpu.memory_space<hbm>>)
      tpu.yield
    }) : () -> ()
    return
  }
}

module attributes {stable_mosaic.version = 14 : i64} {
  func.func @body(%arg0: i32, %arg1: memref<2x400x128xf32, #tpu.memory_space<vmem>>, %arg2: memref<2x400x16xf32, #tpu.memory_space<vmem>>, %arg3: memref<400x128xf32, #tpu.memory_space<vmem>>, %arg4: memref<128x128xf32, #tpu.memory_space<vmem>>, %arg5: memref<128x128xf32, #tpu.memory_space<vmem>>, %arg6: memref<1x128xf32, #tpu.memory_space<vmem>>, %arg7: memref<400x128xf32, #tpu.memory_space<vmem>>) attributes {dimension_semantics = [#tpu.dimension_semantics<arbitrary>], iteration_bounds = array<i64: 25>, scalar_prefetch = 0 : i64, scratch_operands = 0 : i64, tpu.core_type = #tpu.core_type<tc>, window_params = [{transform_indices = @transform_0, window_bounds = array<i64: 2, 400, 128>}, {transform_indices = @transform_1, window_bounds = array<i64: 2, 400, 16>}, {transform_indices = @transform_2, window_bounds = array<i64: 400, 128>}, {pipeline_mode = #tpu.pipeline_mode<synchronous>, transform_indices = @transform_3, window_bounds = array<i64: 128, 128>}, {pipeline_mode = #tpu.pipeline_mode<synchronous>, transform_indices = @transform_4, window_bounds = array<i64: 128, 128>}, {pipeline_mode = #tpu.pipeline_mode<synchronous>, transform_indices = @transform_5, window_bounds = array<i64: 1, 128>}, {transform_indices = @transform_6, window_bounds = array<i64: 400, 128>}]} {
    %get3A = arith.constant 0 : index
    %get3A_0 = arith.constant 0 : index
    %get3A_1 = arith.constant 0 : index
    %get3A_2 = vector.load %arg1[%get3A, %get3A_0, %get3A_1] : memref<2x400x128xf32, #tpu.memory_space<vmem>>, vector<1x400x128xf32>
    %get3A_3 = vector.shape_cast %get3A_2 : vector<1x400x128xf32> to vector<400x128xf32>
    %get3A_4 = arith.constant 1 : index
    %get3A_5 = arith.constant 0 : index
    %get3A_6 = arith.constant 0 : index
    %get3A_7 = vector.load %arg1[%get3A_4, %get3A_5, %get3A_6] : memref<2x400x128xf32, #tpu.memory_space<vmem>>, vector<1x400x128xf32>
    %get3A_8 = vector.shape_cast %get3A_7 : vector<1x400x128xf32> to vector<400x128xf32>
    %add3A = arith.addf %get3A_3, %get3A_8 : vector<400x128xf32>
    %get3A_9 = arith.constant 0 : index
    %get3A_10 = arith.constant 0 : index
    %get3A_11 = arith.constant 0 : index
    %get3A_12 = vector.load %arg2[%get3A_9, %get3A_10, %get3A_11] : memref<2x400x16xf32, #tpu.memory_space<vmem>>, vector<1x400x1xf32>
    %get3A_13 = vector.shape_cast %get3A_12 : vector<1x400x1xf32> to vector<400x1xf32>
    %get3A_14 = arith.constant 1 : index
    %get3A_15 = arith.constant 0 : index
    %get3A_16 = arith.constant 0 : index
    %get3A_17 = vector.load %arg2[%get3A_14, %get3A_15, %get3A_16] : memref<2x400x16xf32, #tpu.memory_space<vmem>>, vector<1x400x1xf32>
    %get3A_18 = vector.shape_cast %get3A_17 : vector<1x400x1xf32> to vector<400x1xf32>
    %add3A_19 = arith.addf %get3A_13, %get3A_18 : vector<400x1xf32>
    %max3A = arith.constant 1.000000e+00 : f32
    %max3A_20 = vector.broadcast %max3A : f32 to vector<400x1xf32>
    %max3A_21 = arith.maximumf %add3A_19, %max3A_20 : vector<400x1xf32>
    %div3A = vector.broadcast %max3A_21 : vector<400x1xf32> to vector<400x128xf32>
    %div3A_22 = arith.divf %add3A, %div3A : vector<400x128xf32>
    %get3A_23 = arith.constant 0 : index
    %get3A_24 = arith.constant 0 : index
    %get3A_25 = vector.load %arg4[%get3A_23, %get3A_24] : memref<128x128xf32, #tpu.memory_space<vmem>>, vector<128x128xf32>
    %dot_general3A = arith.constant dense<0.000000e+00> : vector<400x128xf32>
    %dot_general3A_26 = tpu.matmul %div3A_22, %get3A_25, %dot_general3A {dimension_numbers = #tpu.dot_dimension_numbers<[1], [0], [0], [1], [0, 0, 1, 1], [], []>, transpose_lhs_hint = false} : vector<400x128xf32>, vector<128x128xf32>, vector<400x128xf32> -> vector<400x128xf32>
    %get3A_27 = arith.constant 0 : index
    %get3A_28 = arith.constant 0 : index
    %get3A_29 = vector.load %arg3[%get3A_27, %get3A_28] : memref<400x128xf32, #tpu.memory_space<vmem>>, vector<400x128xf32>
    %get3A_30 = arith.constant 0 : index
    %get3A_31 = arith.constant 0 : index
    %get3A_32 = vector.load %arg5[%get3A_30, %get3A_31] : memref<128x128xf32, #tpu.memory_space<vmem>>, vector<128x128xf32>
    %dot_general3A_33 = arith.constant dense<0.000000e+00> : vector<400x128xf32>
    %dot_general3A_34 = tpu.matmul %get3A_29, %get3A_32, %dot_general3A_33 {dimension_numbers = #tpu.dot_dimension_numbers<[1], [0], [0], [1], [0, 0, 1, 1], [], []>, transpose_lhs_hint = false} : vector<400x128xf32>, vector<128x128xf32>, vector<400x128xf32> -> vector<400x128xf32>
    %add3A_35 = arith.addf %dot_general3A_26, %dot_general3A_34 : vector<400x128xf32>
    %get3A_36 = arith.constant 0 : index
    %get3A_37 = arith.constant 0 : index
    %get3A_38 = vector.load %arg6[%get3A_36, %get3A_37] : memref<1x128xf32, #tpu.memory_space<vmem>>, vector<1x128xf32>
    %add3A_39 = vector.broadcast %get3A_38 : vector<1x128xf32> to vector<400x128xf32>
    %add3A_40 = arith.addf %add3A_35, %add3A_39 : vector<400x128xf32>
    %swap3A = arith.constant 0 : index
    %swap3A_41 = arith.constant 0 : index
    %swap3A_42 = vector.load %arg7[%swap3A, %swap3A_41] : memref<400x128xf32, #tpu.memory_space<vmem>>, vector<400x128xf32>
    tpu.vector_store %arg7[%swap3A, %swap3A_41], %add3A_40 {strides = array<i32>} : memref<400x128xf32, #tpu.memory_space<vmem>>, vector<400x128xf32>,
    return
  }
  func.func @transform_0(%arg0: i32) -> (i32, i32, i32) {
    %c0_i32 = arith.constant 0 : i32
    %c0_i32_0 = arith.constant 0 : i32
    %c0_i32_1 = arith.constant 0 : i32
    return %c0_i32, %arg0, %c0_i32_0 : i32, i32, i32
  }
  func.func @transform_1(%arg0: i32) -> (i32, i32, i32) {
    %c0_i32 = arith.constant 0 : i32
    %c0_i32_0 = arith.constant 0 : i32
    %c0_i32_1 = arith.constant 0 : i32
    return %c0_i32, %arg0, %c0_i32_0 : i32, i32, i32
  }
  func.func @transform_2(%arg0: i32) -> (i32, i32) {
    %c0_i32 = arith.constant 0 : i32
    %c0_i32_0 = arith.constant 0 : i32
    return %arg0, %c0_i32 : i32, i32
  }
  func.func @transform_3(%arg0: i32) -> (i32, i32) {
    %c0_i32 = arith.constant 0 : i32
    %c0_i32_0 = arith.constant 0 : i32
    %c0_i32_1 = arith.constant 0 : i32
    return %c0_i32, %c0_i32_0 : i32, i32
  }
  func.func @transform_4(%arg0: i32) -> (i32, i32) {
    %c0_i32 = arith.constant 0 : i32
    %c0_i32_0 = arith.constant 0 : i32
    %c0_i32_1 = arith.constant 0 : i32
    return %c0_i32, %c0_i32_0 : i32, i32
  }
  func.func @transform_5(%arg0: i32) -> (i32, i32) {
    %c0_i32 = arith.constant 0 : i32
    %c0_i32_0 = arith.constant 0 : i32
    %c0_i32_1 = arith.constant 0 : i32
    return %c0_i32, %c0_i32_0 : i32, i32
  }
  func.func @transform_6(%arg0: i32) -> (i32, i32) {
    %c0_i32 = arith.constant 0 : i32
    %c0_i32_0 = arith.constant 0 : i32
    return %arg0, %c0_i32 : i32, i32
  }
}

</mosaic_0001>

<sc_bundles>
// kernel: kernel.4.cloned.1.call-start
scs
__scs_entry_jumppad:
0x0: {  	(pc) =	sbr.rel $0x88, $3  }
0x1: {  	(tag) =	ssettag $0x0;
	lr =	simm.s32 $0x1  }
0x2: {  	[smem:$0x3F9C] =	sst lr;
	_ =	strace $0xD0000000  }
0x3: {  	_ = 	snop  }
0x4: {  	_ = 	snop  }
0x5: {  	_ = 	snop  }
0x6: {  	_ = 	snop  }
0x7: {  	_ = 	snop  }
__scs_overlays_trampoline_lowered:
0x8: {  	[smem:$0x3FAB] =	sst s0  }
0x9: {  	[smem:$0x3FAC] =	sst s1  }
0xa: {  	[smem:$0x3FAD] =	sst s2  }
0xb: {  	[smem:$0x3FAE] =	sst s3  }
0xc: {  	[smem:$0x3FAF] =	sst s4  }
0xd: {  	[smem:$0x3FB0] =	sst s5  }
0xe: {  	[smem:$0x3FB1] =	sst s6  }
0xf: {  	[smem:$0x3FB2] =	sst s7  }
0x10: {  	[smem:$0x3FB3] =	sst s8  }
0x11: {  	[smem:$0x3FB4] =	sst s9;
	s0 =	simm.s32 @!p0 $0x0  }
0x12: {  	s1 =	sld [smem:$0x3F9A];
	s0 =	simm.s32 @p0 $0x1  }
0x13: {  	[smem:$0x3FB5] =	sst s0;
	s0 =	simm.s32 @!p1 $0x0  }
0x14: {  	s2 =	sld [smem:$0x3F99];
	s0 =	simm.s32 @p1 $0x1  }
0x15: {  	[smem:$0x3FB6] =	sst s0;
	s0 =	simm.s32 @!p2 $0x0  }
0x16: {  	s3 =	sld [smem:$0x3FDB];
	s0 =	simm.s32 @p2 $0x1  }
0x17: {  	s4 =	simm.s32 $0x1BF5;
	[smem:$0x3FB8] =	sst s0  }
0x18: {  	s0 =	sld [smem:$0x3F9B];
	_ =	swait.ge [sflag:s4], $0x0  }
0x19: {  	s7 =	sld [smem:$0x3F9C]  }
0x1a: {  	s8 =	sadd.s32 $0xFFFFE003, lr  }
0x1b: {  	s9 =	sadd.s32 $0xFFFFFEF7, lr;
	s5 =	simm.s32 $0xFFFFFFFF;
	p2 =	slt.u32 s8, $0xFFFFF086  }
0x1c: {  	p1 =	slt.u32 s9, $0xF7A;
	s5 =	simm.s32 @!p2 $0x0  }
0x1d: {  	s5 =	simm.s32 @p1 $0x1;
	p0 =	seq.s32 s7, s2  }
0x1e: {  	s7 =	smul.u32 @!p0 $0xF7A, s2;
	p2 =	seq.s32 @!p0 s5, $0x0  }
0x1f: {  	s9 =	smul.u32 $0xF7A, s1;
	s8 =	simm.s32 @!p0 $0x1BF5;
	p2 =	por !p2, p0  }
0x20: {  	[sflag:s8] =	ssyncset.s32 @!p0 $0xFFFFF086;
	s6 =	sadd.s32 @!p0 s3, s7;
	s7 =	simm.s32 @!p0 $0x108  }
0x21: {  	s3 =	sadd.s32 s3, s9;
	s6 =	sadd.s32 @!p0 $0x88, s6;
	s7 =	simm.s32 @p2 $0x1082  }
0x22: {  	[simem:s7], [sflag:s8] =	dma.local @!p0 [hbm:s6], $0xF7A  }
0x23: {  	s9 =	sor.u32 $0xD0000000, s2;
	s6 =	simm.s32 $0x108;
	_ =	swait.ge @!p0 [sflag:s8], $0x0  }
0x24: {  	s3 =	sadd.s32 $0x88, s3;
	s6 =	simm.s32 @!p1 $0x1082;
	[sflag:s4] =	ssyncset.s32 $0xFFFFF086  }
0x25: {  	[simem:s6], [sflag:s4] =	dma.local [hbm:s3], $0xF7A  }
0x26: {  	[smem:$0x3F9C] =	sst s1;
	(tag) =	ssettag s2;
	_ =	strace s9  }
0x27: {  	s1 =	sld [smem:$0x3FAC]  }
0x28: {  	s2 =	sld [smem:$0x3FAD]  }
0x29: {  	s4 =	sld [smem:$0x3FAF]  }
0x2a: {  	p0 =	seq.s32 s5, $0x0;
	s5 =	sld [smem:$0x3FB0]  }
0x2b: {  	s6 =	sld [smem:$0x3FB1]  }
0x2c: {  	s7 =	sld [smem:$0x3FB2]  }
0x2d: {  	s3 =	simm.s32 $0x108;
	s8 =	sld [smem:$0x3FB3]  }
0x2e: {  	s3 =	simm.s32 @!p0 $0x1082;
	s9 =	sld [smem:$0x3FB4]  }
0x2f: {  	lr =	sadd.s32 s0, s3;
	s0 =	sld [smem:$0x3FAB]  }
0x30: {  	s3 =	sld [smem:$0x3FAE]  }
0x31: {  	[smem:$0x3FB7] =	sst s10  }
0x32: {  	s10 =	sld [smem:$0x3FB5];
	_ =	sdelay $0x3  }
0x33: {  	p0 =	seq.s32 s10, $0x1;
	s10 =	sld [smem:$0x3FB7];
	_ =	sdelay $0x3  }
0x34: {  	[smem:$0x3FB7] =	sst s10  }
0x35: {  	s10 =	sld [smem:$0x3FB6];
	_ =	sdelay $0x3  }
0x36: {  	p1 =	seq.s32 s10, $0x1;
	s10 =	sld [smem:$0x3FB7];
	_ =	sdelay $0x3  }
0x37: {  	[smem:$0x3FB7] =	sst s10  }
0x38: {  	s10 =	sld [smem:$0x3FB8]  }
0x39: {  	_ = 	snop;
	(pc) =	sbr.ind lr, $3  }
0x3a: {  	_ = 	snop  }
0x3b: {  	_ = 	snop  }
0x3c: {  	p2 =	seq.s32 s10, $0x1;
	s10 =	sld [smem:$0x3FB7]  }
0x3d: {  	_ =	shalt  }
0x3e: {  	_ =	shalt  }
0x3f: {  	_ =	shalt  }
0x40: {  	_ =	shalt  }
0x41: {  	_ =	shalt  }
0x42: {  	_ =	shalt  }
0x43: {  	_ =	shalt  }
0x44: {  	_ =	shalt  }
0x45: {  	_ =	shalt  }
0x46: {  	_ =	shalt  }
0x47: {  	_ =	shalt  }
0x48: {  	_ =	shalt  }
0x49: {  	_ =	shalt  }
0x4a: {  	_ =	shalt  }
0x4b: {  	_ =	shalt  }
0x4c: {  	_ =	shalt  }
0x4d: {  	_ =	shalt  }
0x4e: {  	_ =	shalt  }
0x4f: {  	_ =	shalt  }
0x50: {  	_ =	shalt  }
0x51: {  	_ =	shalt  }
0x52: {  	_ =	shalt  }
0x53: {  	_ =	shalt  }
0x54: {  	_ =	shalt  }
0x55: {  	_ =	shalt  }
0x56: {  	_ =	shalt  }
0x57: {  	_ =	shalt  }
0x58: {  	_ =	shalt  }
0x59: {  	_ =	shalt  }
0x5a: {  	_ =	shalt  }
0x5b: {  	_ =	shalt  }
0x5c: {  	_ =	shalt  }
0x5d: {  	_ =	shalt  }
0x5e: {  	_ =	shalt  }
0x5f: {  	_ =	shalt  }
0x60: {  	_ =	shalt  }
0x61: {  	_ =	shalt  }
0x62: {  	_ =	shalt  }
0x63: {  	_ =	shalt  }
0x64: {  	_ =	shalt  }
0x65: {  	_ =	shalt  }
0x66: {  	_ =	shalt  }
0x67: {  	_ =	shalt  }
0x68: {  	_ =	shalt  }
0x69: {  	_ =	shalt  }
0x6a: {  	_ =	shalt  }
0x6b: {  	_ =	shalt  }
0x6c: {  	_ =	shalt  }
0x6d: {  	_ =	shalt  }
0x6e: {  	_ =	shalt  }
0x6f: {  	_ =	shalt  }
0x70: {  	_ =	shalt  }
0x71: {  	_ =	shalt  }
0x72: {  	_ =	shalt  }
0x73: {  	_ =	shalt  }
0x74: {  	_ =	shalt  }
0x75: {  	_ =	shalt  }
0x76: {  	_ =	shalt  }
0x77: {  	_ =	shalt  }
0x78: {  	_ =	shalt  }
0x79: {  	_ =	shalt  }
0x7a: {  	_ =	shalt  }
0x7b: {  	_ =	shalt  }
0x7c: {  	_ =	shalt  }
0x7d: {  	_ =	shalt  }
0x7e: {  	_ =	shalt  }
0x7f: {  	_ =	shalt  }
0x80: {  	_ =	shalt  }
0x81: {  	_ =	shalt  }
0x82: {  	_ =	shalt  }
0x83: {  	_ =	shalt  }
0x84: {  	_ =	shalt  }
0x85: {  	_ =	shalt  }
0x86: {  	_ =	shalt  }
0x87: {  	_ =	shalt  }
.Lfunc_end0:
.L_simem_size_0:
called_computation_lowered:
.L_overlay_start_0:
0x88: {  	s2 =	sld [smem:$0x3FD9]  }
0x89: {  	s3 =	sld [smem:$0x3FFE];
	_ =	sdelay $0x1  }
0x8a: {  	s1 =	srdreg.scid  }
0x8b: {  	s0 =	sand.u32 $0x1, s1  }
0x8c: {  	s17 =	sshll.u32 s0, $0xA;
	s2 =	sadd.s32 s3, s2  }
0x8d: {  	s2 =	sadd.s32 s2, s17  }
0x8e: {  	[smem:$0x3FC3] =	sst s2  }
0x8f: {  	_ = 	snop  }
0x90: {  	s2 =	sld [smem:$0x3FC9]  }
0x91: {  	s18 =	sld [smem:$0x3FD0];
	(tm) =	ssettm $0x1  }
0x92: {  	s4 =	sld [smem:$0x3FFB];
	_ =	sdelay $0x3  }
0x93: {  	_ =	strace s4  }
0x94: {  	s4 =	sld [smem:$0x3FFC];
	_ =	sdelay $0x3  }
0x95: {  	_ =	strace s4  }
0x96: {  	s4 =	sld [smem:$0x3FFD];
	_ =	sdelay $0x3  }
0x97: {  	_ =	strace s4  }
0x98: {  	_ =	strace $0x8FFFFFFF  }
0x99: {  	s19 =	sld [smem:$0x3FDB];
	_ =	sdelay $0x1  }
0x9a: {  	s5 =	simm.s32 $_scs_section_size  }
0x9b: {  	s6 =	simm.s32 $_size__tile_overlayer_lowered;
	s7 =	simm.s32 $_tile_overlayer_lowered  }
0x9c: {  	s22 =	simm.s32 $0x1BFF;
	s21 =	sshll.u32 s7, $0x1;
	s4 =	sadd.s32 s5, s19  }
0x9d: {  	s8 =	simm.s32 $0x0;
	s20 =	sshll.u32 s6, $0x1;
	s6 =	sadd.s32 s21, s4  }
0x9e: {  	[timem:s8], [sflag:s22] =	dma.local [hbm:s6], s20  }
0x9f: {  	_ =	swait.ge [sflag:s22], s20  }
0xa0: {  	s5 =	ssub.s32 $0x0, s20;
	[sflag:s22] =	ssyncset.done $0x0  }
0xa1: {  	[sflag:s22] =	ssyncadd.s32 s5;
	_ =	sdelay $0x1  }
0xa2: {  	s23 =	simm.s32 $0x1B8B  }
0xa3: {  	_ =	swait.ge [sflag:s23], $0x1  }
0xa4: {  	[sflag:s23] =	ssyncset.done $0x0  }
0xa5: {  	s25 =	simm.s32 $0x1B8E;
	s24 =	sld [smem:$0x3FFE];
	[sflag:s23] =	ssyncadd.s32 $0xFFFFFFFF  }
0xa6: {  	s26 =	simm.s32 $execute0_lowered;
	[smem:$0x3FD2] =	sst s25  }
0xa7: {  	s6 =	sshll.u32 s26, $0x1;
	_ =	strace $0x80000046;
	[dreg:$0x1] =	wrdreg $0xFFFFFFFF  }
0xa8: {  	s28 =	simm.s32 $_size_execute0_lowered;
	s4 =	sadd.s32 s4, s6;
	[dreg:$0x0] =	wrdreg $0x0  }
0xa9: {  	s6 =	sshll.u32 s28, $0x1;
	[dreg:$0x2] =	wrdreg s4  }
0xaa: {  	[dreg:$0x3] =	wrdreg s6  }
0xab: {  	[dreg:$0x4] =	wrdreg $0xC0  }
0xac: {  	_ =	task [dreg:s8], $0x5FFFF  }
0xad: {  	[dreg:$0x1] =	wrdreg $0xFFFFFFFF  }
0xae: {  	[dreg:$0x0] =	wrdreg $0x60  }
0xaf: {  	[dreg:$0x2] =	wrdreg s2  }
0xb0: {  	[dreg:$0x3] =	wrdreg s18  }
0xb1: {  	[dreg:$0x4] =	wrdreg s24  }
0xb2: {  	[dreg:$0x5] =	wrdreg $0x9F000  }
0xb3: {  	[dreg:$0x6] =	wrdreg $0x1D8000  }
0xb4: {  	[dreg:$0x7] =	wrdreg $0x9  }
0xb5: {  	_ =	task.clear_ibuf [dreg:s8], $0x8FFFF;
	_ =	strace $0x90000046  }
0xb6: {  	s29 =	simm.s32 $0x9;
	_ =	strace $0x80000048  }
0xb7: {  	_ =	swait.ge [sflag:s29], $0x1  }
0xb8: {  	[sflag:s29] =	ssyncadd.s32 $0xFFFFFFFF  }
0xb9: {  	_ =	strace $0x90000048  }
0xba: {  	_ =	sfence  }
0xbb: {  	s30 =	sld [smem:$0x0];
	_ =	sdelay $0x2  }
0xbc: {  	s31 =	sshll.u32 s1, $0xD;
	s1 =	sshrl.u32 s1, $0x2  }
0xbd: {  	s3 =	sand.u32 $0x4000, s31;
	s1 =	sadd.s32 s1, s30  }
0xbe: {  	s0 =	sor.u32 s3, s0;
	s1 =	sshll.u32 s1, $0x11  }
0xbf: {  	s0 =	sor.u32 s1, s0  }
0xc0: {  	s0 =	sadd.s32 $0x8F2B, s0  }
0xc1: {  	[sflag:s0] =	ssyncadd.remote.s32 $0x1  }
0xc2: {  	_ =	sfence.sel $0xFFFF  }
0xc3: {  	[dreg:$0x0] =	wrdreg $0xFFFFFFFF;
	(pc) =	sbr.abs _section_cstart, $3  }
0xc4: {  	[dreg:$0x1] =	wrdreg $0xFFFFFFFF  }
0xc5: {  	_ =	task.clear_ibuf [dreg:s8], $0x2FFFF;
	_ =	strace $0x9FFFFFFF  }
0xc6: {  	(tm) =	ssettm $0x7FFFFFFF  }
0xc7: {  	_ =	shalt  }
tec
execute0_lowered:
.L_overlay_start_1:
0x0: {  	(tag) =	ssettag $0x1  }
0x1: {  	s0 =	srdreg.scid;
	s1 =	rddreg [dreg:$0x0]  }
0x2: {  	s11 =	stileid.u32;
	s5 =	rddreg [dreg:$0x1]  }
0x3: {  	s3 =	rddreg [dreg:$0x2];
	s2 =	simm.s32 $0x0;
	s30 =	simm.s32 $0x4F00  }
0x4: {  	s31 =	simm.s32 $0x2;
	s4 =	sand.u32 $0x1, s0;
	s23 =	sshll.u32 s11, $0x1  }
0x5: {  	[smem:$0x7FF] =	sst s2;
	s8 =	smul.u32 $0x272, s11;
	s9 =	sadd.s32 $0x14C00, s3  }
0x6: {  	s18 =	smul.u32 $0x2720, s11;
	s0 =	sor.u32 s4, s23;
	s7 =	ssub.s32 $0x2, s4  }
0x7: {  	s12 =	sadd.s32 $0xAE00, s3;
	s6 =	smul.u32 $0x4F0, s0;
	s24 =	sshrl.u32 s7, $0x1  }
0x8: {  	s10 =	sadd.s32 $0x80, s8;
	s25 =	sadd.s32 $0x100, s8;
	s26 =	sadd.s32 $0x180, s8  }
0x9: {  	s8 =	sadd.s32 $0x200, s8;
	s19 =	sshll.u32 s10, $0x7;
	s20 =	sshll.u32 s10, $0x4  }
0xa: {  	s21 =	sshll.u32 s25, $0x7;
	s22 =	sshll.u32 s25, $0x4;
	s23 =	sshll.u32 s26, $0x7  }
0xb: {  	s0 =	sadd.s32 s6, s3;
	s3 =	ssub.s32 s7, s24;
	s7 =	smul.u32 $0x13900, s11  }
0xc: {  	s25 =	sshll.u32 s8, $0x7;
	s11 =	smul.u32 $0x139000, s4;
	s24 =	sshll.u32 s26, $0x4  }
0xd: {  	s26 =	sshll.u32 s8, $0x4;
	s4 =	smul.u32 $0x27200, s4;
	s5 =	sadd.s32 s5, s6  }
0xe: {  	[dreg:$0x6] =	wrdreg s5;
	s28 =	sadd.s32 $0x1000, s0;
	s29 =	smax.u32 s3, $0x1  }
0xf: {  	s0 =	simm.s32 $0x80;
	s3 =	simm.s32 $0x1;
	s13 =	sadd.s32 s7, s11  }
0x10: {  	s15 =	sadd.s32 s11, s19;
	s16 =	sadd.s32 s11, s21;
	s17 =	sadd.s32 s11, s23  }
0x11: {  	s11 =	sadd.s32 s11, s25;
	s14 =	sshrl.u32 s13, $0x3;
	s6 =	sshrl.u32 s15, $0x3  }
0x12: {  	s8 =	sshrl.u32 s16, $0x3;
	s10 =	sshrl.u32 s17, $0x3;
	s13 =	sshrl.u32 s11, $0x3  }
0x13: {  	s5 =	sadd.s32 s9, s14;
	s14 =	sadd.s32 s9, s13;
	s13 =	rddreg [dreg:$0x3]  }
0x14: {  	s15 =	sadd.s32 s4, s22;
	s6 =	sadd.s32 s9, s6;
	[dreg:$0x7] =	wrdreg s5  }
0x15: {  	s17 =	sadd.s32 s4, s24;
	s8 =	sadd.s32 s9, s8;
	[dreg:$0x8] =	wrdreg s6  }
0x16: {  	s16 =	sshrl.u32 s15, $0x3;
	s5 =	sadd.s32 s18, s4;
	[dreg:$0x9] =	wrdreg s8  }
0x17: {  	s6 =	sadd.s32 s4, s20;
	s8 =	sadd.s32 s9, s10;
	[dreg:$0xb] =	wrdreg s14  }
0x18: {  	s11 =	sadd.s32 s12, s16;
	s4 =	sadd.s32 s4, s26;
	s14 =	rddreg [dreg:$0x4]  }
0x19: {  	s19 =	sadd.s32 s19, s13;
	s21 =	sadd.s32 s21, s13;
	s23 =	sadd.s32 s23, s13  }
0x1a: {  	s25 =	sadd.s32 s25, s13;
	[dreg:$0xa] =	wrdreg s8;
	s5 =	sshrl.u32 s5, $0x3  }
0x1b: {  	s6 =	sshrl.u32 s6, $0x3;
	s4 =	sshrl.u32 s4, $0x3;
	s18 =	sadd.s32 s18, s14  }
0x1c: {  	s20 =	sadd.s32 s20, s14;
	s22 =	sadd.s32 s22, s14;
	s24 =	sadd.s32 s24, s14  }
0x1d: {  	s26 =	sadd.s32 s26, s14;
	s5 =	sadd.s32 s12, s5;
	s10 =	sadd.s32 s12, s6  }
0x1e: {  	s16 =	sadd.s32 s12, s4;
	[dreg:$0xc] =	wrdreg s5;
	s5 =	sshrl.u32 s17, $0x3  }
0x1f: {  	s4 =	simm.s32 $0x8F00;
	s17 =	sadd.s32 s7, s13;
	s15 =	sadd.s32 s12, s5  }
0x20: {  	v0 =	vimm.f32 $0.0e+00;
	v1 =	vimm.f32 $1.000000000e+00;
	_ =	strace $0x80000047;
	s12 =	simm.s32 $0x9700;
	s5 =	simm.s32 $0x0  }
.LBB2_1:
0x21: {  	s6 =	simm.s32 $0x0;
	s7 =	simm.s32 $0x200  }
.LBB2_2:
0x22: {  	p0 =	sne.s32 s7, $0xFE00;
	[tilespmem:s6+$0x4F70] =	vst v0  }
0x23: {  	[tilespmem:s6+$0x4F00] =	vst v0  }
0x24: {  	[tilespmem:s6+$0x4F10] =	vst v0  }
.Ltmp0:
0x25: {  	[tilespmem:s6+$0x4F20] =	vst v0;
	(pc) =	sbr.rel @p0 .LBB2_2-.Ltmp0, $4  }
0x26: {  	[tilespmem:s6+$0x4F30] =	vst v0  }
0x27: {  	[tilespmem:s6+$0x4F40] =	vst v0  }
0x28: {  	[tilespmem:s6+$0x4F50] =	vst v0  }
0x29: {  	[tilespmem:s6+$0x4F60] =	vst v0;
	s6 =	sshra.s32 s7, $0x2;
	s7 =	sadd.s32 $0x200, s7  }
0x2a: {  	[tilespmem:s6+$0x4F70] =	vst v0  }
0x2b: {  	[tilespmem:s6+$0x4F00] =	vst v0  }
0x2c: {  	[tilespmem:s6+$0x4F10] =	vst v0  }
0x2d: {  	[tilespmem:s6+$0x4F20] =	vst v0  }
0x2e: {  	[tilespmem:s6+$0x4F30] =	vst v0  }
0x2f: {  	[tilespmem:s6+$0x4F40] =	vst v0  }
0x30: {  	[tilespmem:s6+$0x4F50] =	vst v0  }
0x31: {  	[tilespmem:s6+$0x4F60] =	vst v0;
	s6 =	simm.s32 $0x40;
	s7 =	simm.s32 $0x0  }
.LBB2_4:
0x32: {  	p0 =	sne.s32 s6, $0x1FC0;
	[tilespmem:s7+$0x9700] =	vst v0;
	s8 =	smov.u32 s6;
	s6 =	sadd.s32 $0x40, s6  }
.Ltmp1:
0x33: {  	[tilespmem:s7+$0x8F00] =	vst v1;
	(pc) =	sbr.rel @p0 .LBB2_4-.Ltmp1, $2  }
0x34: {  	_ =	sdelay $0x2  }
0x35: {  	s7 =	sshra.s32 s8, $0x2  }
0x36: {  	[tilespmem:s7+$0x9700] =	vst v0  }
0x37: {  	[tilespmem:s7+$0x8F00] =	vst v1  }
0x38: {  	[spmem:s17] =	stream.linear.scatter [tilespmem:s30], [sflag:$0x2], $0x4000, $0x38;
	[tilespmem:$0x1FF20] =	vst v63  }
0x39: {  	_ =	swait.ge [sflag:s31], $0x4000  }
0x3a: {  	[sflag:s31] =	ssyncset.done $0x0  }
0x3b: {  	[sflag:s31] =	ssyncadd.s32 $0xFFFFC000  }
0x3c: {  	[spmem:s18] =	stream.linear.scatter [tilespmem:s12], [sflag:$0x2], $0x800, $0x38;
	[tilespmem:$0x1FF20] =	vst v63  }
0x3d: {  	_ =	swait.ge [sflag:s31], $0x800  }
0x3e: {  	[sflag:s31] =	ssyncset.done $0x0  }
0x3f: {  	[sflag:s31] =	ssyncadd.s32 $0xFFFFF800  }
0x40: {  	[spmem:s19] =	stream.linear.scatter [tilespmem:s30], [sflag:$0x2], $0x4000, $0x38;
	[tilespmem:$0x1FF20] =	vst v63  }
0x41: {  	_ =	swait.ge [sflag:s31], $0x4000  }
0x42: {  	[sflag:s31] =	ssyncset.done $0x0  }
0x43: {  	[sflag:s31] =	ssyncadd.s32 $0xFFFFC000  }
0x44: {  	[spmem:s20] =	stream.linear.scatter [tilespmem:s12], [sflag:$0x2], $0x800, $0x38;
	[tilespmem:$0x1FF20] =	vst v63  }
0x45: {  	_ =	swait.ge [sflag:s31], $0x800  }
0x46: {  	[sflag:s31] =	ssyncset.done $0x0  }
0x47: {  	[sflag:s31] =	ssyncadd.s32 $0xFFFFF800  }
0x48: {  	[spmem:s21] =	stream.linear.scatter [tilespmem:s30], [sflag:$0x2], $0x4000, $0x38;
	[tilespmem:$0x1FF20] =	vst v63  }
0x49: {  	_ =	swait.ge [sflag:s31], $0x4000  }
0x4a: {  	[sflag:s31] =	ssyncset.done $0x0  }
0x4b: {  	[sflag:s31] =	ssyncadd.s32 $0xFFFFC000  }
0x4c: {  	[spmem:s22] =	stream.linear.scatter [tilespmem:s12], [sflag:$0x2], $0x800, $0x38;
	[tilespmem:$0x1FF20] =	vst v63  }
0x4d: {  	_ =	swait.ge [sflag:s31], $0x800  }
0x4e: {  	[sflag:s31] =	ssyncset.done $0x0  }
0x4f: {  	[sflag:s31] =	ssyncadd.s32 $0xFFFFF800  }
0x50: {  	[spmem:s23] =	stream.linear.scatter [tilespmem:s30], [sflag:$0x2], $0x4000, $0x38;
	[tilespmem:$0x1FF20] =	vst v63  }
0x51: {  	_ =	swait.ge [sflag:s31], $0x4000  }
0x52: {  	[sflag:s31] =	ssyncset.done $0x0  }
0x53: {  	[sflag:s31] =	ssyncadd.s32 $0xFFFFC000  }
0x54: {  	[spmem:s24] =	stream.linear.scatter [tilespmem:s12], [sflag:$0x2], $0x800, $0x38;
	[tilespmem:$0x1FF20] =	vst v63  }
0x55: {  	_ =	swait.ge [sflag:s31], $0x800  }
0x56: {  	[sflag:s31] =	ssyncset.done $0x0  }
0x57: {  	[sflag:s31] =	ssyncadd.s32 $0xFFFFF800  }
0x58: {  	[spmem:s25] =	stream.linear.scatter [tilespmem:s30], [sflag:$0x2], $0x3900, $0x38;
	[tilespmem:$0x1FF20] =	vst v63  }
0x59: {  	_ =	swait.ge [sflag:s31], $0x3900  }
0x5a: {  	[sflag:s31] =	ssyncset.done $0x0  }
0x5b: {  	[sflag:s31] =	ssyncadd.s32 $0xFFFFC700  }
0x5c: {  	[spmem:s26] =	stream.linear.scatter [tilespmem:s12], [sflag:$0x2], $0x720, $0x38;
	[tilespmem:$0x1FF20] =	vst v63  }
0x5d: {  	_ =	swait.ge [sflag:s31], $0x720  }
0x5e: {  	[sflag:s31] =	ssyncset.done $0x0  }
0x5f: {  	[sflag:s31] =	ssyncadd.s32 $0xFFFFF8E0  }
0x60: {  	[bflag:$0x0] =	sbarrier.arrive $0xFFFF  }
0x61: {  	s6 =	simm.s32 $0x0;
	s8 =	rddreg [dreg:$0x6]  }
0x62: {  	[tilespmem:s6], [sflag:$0x2] =	stream.linear.gather [hbm4b:s8+s6], $0x2780, $0x38;
	[tilespmem:$0x1FF20] =	vst v63  }
0x63: {  	_ =	swait.ge [sflag:s31], $0x2780  }
0x64: {  	[sflag:s31] =	ssyncset.done $0x0  }
0x65: {  	s9 =	simm.s32 $0x2780;
	[sflag:s31] =	ssyncadd.s32 $0xFFFFD880  }
0x66: {  	[tilespmem:s9], [sflag:$0x2] =	stream.linear.gather [hbm4b:s28+s6], $0x2780, $0x38;
	[tilespmem:$0x1FF20] =	vst v63  }
0x67: {  	_ =	swait.ge [sflag:s31], $0x2780  }
0x68: {  	[sflag:s31] =	ssyncset.done $0x0  }
0x69: {  	s8 =	simm.s32 $0x0;
	[sflag:s31] =	ssyncadd.s32 $0xFFFFD880  }
0x6a: {  	[tilespmem:s30], [sflag:$0x1] =	stream.indirect.gather [hbm4b:s1+s0], $0x80, s8, s0, $0xb8;
	[tilespmem:$0x1FF20] =	vst v63  }
0x6b: {  	_ =	swait.ge [sflag:s3], $0x4000  }
0x6c: {  	[sflag:s3] =	ssyncset.done $0x0  }
0x6d: {  	s9 =	simm.s32 $0x2780;
	[sflag:s3] =	ssyncadd.s32 $0xFFFFC000  }
0x6e: {  	[spmem:s13] =	stream.indirect.scatter.add.f32 [tilespmem:s30], [sflag:$0x2], $0x80, s9, s0, $0xb8;
	[tilespmem:$0x1FF20] =	vst v63  }
0x6f: {  	_ =	swait.ge [sflag:s31], $0x4000  }
0x70: {  	[sflag:s31] =	ssyncset.done $0x0  }
0x71: {  	[sflag:s31] =	ssyncadd.s32 $0xFFFFC000  }
0x72: {  	[spmem:s14] =	stream.indirect.scatter.add.f32 [tilespmem:s4], [sflag:$0x2], $0x10, s9, s0, $0xb8;
	[tilespmem:$0x1FF20] =	vst v63  }
0x73: {  	_ =	swait.ge [sflag:s31], $0x800  }
0x74: {  	s7 =	simm.s32 $0x400;
	s6 =	simm.s32 $0x200;
	[sflag:s31] =	ssyncset.done $0x0  }
.LBB2_6:
0x75: {  	s8 =	sshra.s32 s6, $0x2  }
0x76: {  	[sflag:s31] =	ssyncadd.s32 $0xFFFFF800;
	s6 =	smov.u32 s7;
	s9 =	sadd.s32 $0x200, s7  }
0x77: {  	[tilespmem:s30], [sflag:$0x1] =	stream.indirect.gather [hbm4b:s1+s0], $0x80, s8, s0, $0xb8;
	[tilespmem:$0x1FF20] =	vst v63  }
0x78: {  	p0 =	sne.s32 s7, $0x9C00;
	_ =	swait.ge [sflag:s3], $0x4000  }
0x79: {  	[sflag:s3] =	ssyncset.done $0x0  }
0x7a: {  	s7 =	sadd.s32 $0x2780, s8;
	[sflag:s3] =	ssyncadd.s32 $0xFFFFC000  }
0x7b: {  	[spmem:s13] =	stream.indirect.scatter.add.f32 [tilespmem:s30], [sflag:$0x2], $0x80, s7, s0, $0xb8;
	[tilespmem:$0x1FF20] =	vst v63  }
0x7c: {  	_ =	swait.ge [sflag:s31], $0x4000  }
.Ltmp2:
0x7d: {  	[sflag:s31] =	ssyncset.done $0x0;
	(pc) =	sbr.rel @p0 .LBB2_6-.Ltmp2, $4  }
0x7e: {  	[sflag:s31] =	ssyncadd.s32 $0xFFFFC000  }
0x7f: {  	[spmem:s14] =	stream.indirect.scatter.add.f32 [tilespmem:s4], [sflag:$0x2], $0x10, s7, s0, $0xb8;
	[tilespmem:$0x1FF20] =	vst v63  }
0x80: {  	_ =	swait.ge [sflag:s31], $0x800  }
0x81: {  	s7 =	smov.u32 s9;
	[sflag:s31] =	ssyncset.done $0x0  }
0x82: {  	s6 =	sshra.s32 s6, $0x2;
	[sflag:s31] =	ssyncadd.s32 $0xFFFFF800  }
0x83: {  	[tilespmem:s30], [sflag:$0x1] =	stream.indirect.gather [hbm4b:s1+s0], $0x80, s6, s0, $0xb8;
	[tilespmem:$0x1FF20] =	vst v63  }
0x84: {  	_ =	swait.ge [sflag:s3], $0x4000  }
0x85: {  	[sflag:s3] =	ssyncset.done $0x0  }
0x86: {  	s6 =	sadd.s32 $0x2780, s6;
	[sflag:s3] =	ssyncadd.s32 $0xFFFFC000  }
0x87: {  	[spmem:s13] =	stream.indirect.scatter.add.f32 [tilespmem:s30], [sflag:$0x2], $0x80, s6, s0, $0xb8;
	[tilespmem:$0x1FF20] =	vst v63  }
0x88: {  	_ =	swait.ge [sflag:s31], $0x4000  }
0x89: {  	[sflag:s31] =	ssyncset.done $0x0  }
0x8a: {  	[sflag:s31] =	ssyncadd.s32 $0xFFFFC000  }
0x8b: {  	[spmem:s14] =	stream.indirect.scatter.add.f32 [tilespmem:s4], [sflag:$0x2], $0x10, s6, s0, $0xb8;
	[tilespmem:$0x1FF20] =	vst v63  }
0x8c: {  	_ =	swait.ge [sflag:s31], $0x800  }
0x8d: {  	[sflag:s31] =	ssyncset.done $0x0  }
0x8e: {  	[sflag:s31] =	ssyncadd.s32 $0xFFFFF800  }
0x8f: {  	[bflag:$0x0] =	sbarrier.arrive $0xFFFF  }
0x90: {  	[tilespmem:s30], [sflag:$0x2] =	stream.linear.gather [spmem:s17], $0x4000, $0x38;
	[tilespmem:$0x1FF20] =	vst v63  }
0x91: {  	_ =	swait.ge [sflag:s31], $0x4000  }
0x92: {  	[sflag:s31] =	ssyncset.done $0x0  }
0x93: {  	s7 =	rddreg [dreg:$0x7];
	[sflag:s31] =	ssyncadd.s32 $0xFFFFC000  }
0x94: {  	[hbm4b:s7+s2] =	stream.linear.scatter [tilespmem:s30], [sflag:$0x2], $0x4000, $0x38;
	[tilespmem:$0x1FF20] =	vst v63  }
0x95: {  	_ =	swait.ge [sflag:s31], $0x4000  }
0x96: {  	[sflag:s31] =	ssyncset.done $0x0  }
0x97: {  	[sflag:s31] =	ssyncadd.s32 $0xFFFFC000  }
0x98: {  	[tilespmem:s12], [sflag:$0x2] =	stream.linear.gather [spmem:s18], $0x800, $0x38;
	[tilespmem:$0x1FF20] =	vst v63  }
0x99: {  	_ =	swait.ge [sflag:s31], $0x800  }
0x9a: {  	[sflag:s31] =	ssyncset.done $0x0  }
0x9b: {  	s8 =	rddreg [dreg:$0xc];
	[sflag:s31] =	ssyncadd.s32 $0xFFFFF800  }
0x9c: {  	[hbm4b:s8+s2] =	stream.linear.scatter [tilespmem:s12], [sflag:$0x2], $0x800, $0x38;
	[tilespmem:$0x1FF20] =	vst v63  }
0x9d: {  	_ =	swait.ge [sflag:s31], $0x800  }
0x9e: {  	[sflag:s31] =	ssyncset.done $0x0  }
0x9f: {  	[sflag:s31] =	ssyncadd.s32 $0xFFFFF800  }
0xa0: {  	[tilespmem:s30], [sflag:$0x2] =	stream.linear.gather [spmem:s19], $0x4000, $0x38;
	[tilespmem:$0x1FF20] =	vst v63  }
0xa1: {  	_ =	swait.ge [sflag:s31], $0x4000  }
0xa2: {  	[sflag:s31] =	ssyncset.done $0x0  }
0xa3: {  	s9 =	rddreg [dreg:$0x8];
	[sflag:s31] =	ssyncadd.s32 $0xFFFFC000  }
0xa4: {  	[hbm4b:s9+s2] =	stream.linear.scatter [tilespmem:s30], [sflag:$0x2], $0x4000, $0x38;
	[tilespmem:$0x1FF20] =	vst v63  }
0xa5: {  	_ =	swait.ge [sflag:s31], $0x4000  }
0xa6: {  	[sflag:s31] =	ssyncset.done $0x0  }
0xa7: {  	[sflag:s31] =	ssyncadd.s32 $0xFFFFC000  }
0xa8: {  	[tilespmem:s12], [sflag:$0x2] =	stream.linear.gather [spmem:s20], $0x800, $0x38;
	[tilespmem:$0x1FF20] =	vst v63  }
0xa9: {  	_ =	swait.ge [sflag:s31], $0x800  }
0xaa: {  	[sflag:s31] =	ssyncset.done $0x0  }
0xab: {  	[sflag:s31] =	ssyncadd.s32 $0xFFFFF800  }
0xac: {  	[hbm4b:s10+s2] =	stream.linear.scatter [tilespmem:s12], [sflag:$0x2], $0x800, $0x38;
	[tilespmem:$0x1FF20] =	vst v63  }
0xad: {  	_ =	swait.ge [sflag:s31], $0x800  }
0xae: {  	[sflag:s31] =	ssyncset.done $0x0  }
0xaf: {  	[sflag:s31] =	ssyncadd.s32 $0xFFFFF800  }
0xb0: {  	[tilespmem:s30], [sflag:$0x2] =	stream.linear.gather [spmem:s21], $0x4000, $0x38;
	[tilespmem:$0x1FF20] =	vst v63  }
0xb1: {  	_ =	swait.ge [sflag:s31], $0x4000  }
0xb2: {  	[sflag:s31] =	ssyncset.done $0x0  }
0xb3: {  	s7 =	rddreg [dreg:$0x9];
	[sflag:s31] =	ssyncadd.s32 $0xFFFFC000  }
0xb4: {  	[hbm4b:s7+s2] =	stream.linear.scatter [tilespmem:s30], [sflag:$0x2], $0x4000, $0x38;
	[tilespmem:$0x1FF20] =	vst v63  }
0xb5: {  	_ =	swait.ge [sflag:s31], $0x4000  }
0xb6: {  	[sflag:s31] =	ssyncset.done $0x0  }
0xb7: {  	[sflag:s31] =	ssyncadd.s32 $0xFFFFC000  }
0xb8: {  	[tilespmem:s12], [sflag:$0x2] =	stream.linear.gather [spmem:s22], $0x800, $0x38;
	[tilespmem:$0x1FF20] =	vst v63  }
0xb9: {  	_ =	swait.ge [sflag:s31], $0x800  }
0xba: {  	[sflag:s31] =	ssyncset.done $0x0  }
0xbb: {  	[sflag:s31] =	ssyncadd.s32 $0xFFFFF800  }
0xbc: {  	[hbm4b:s11+s2] =	stream.linear.scatter [tilespmem:s12], [sflag:$0x2], $0x800, $0x38;
	[tilespmem:$0x1FF20] =	vst v63  }
0xbd: {  	_ =	swait.ge [sflag:s31], $0x800  }
0xbe: {  	[sflag:s31] =	ssyncset.done $0x0  }
0xbf: {  	[sflag:s31] =	ssyncadd.s32 $0xFFFFF800  }
0xc0: {  	[tilespmem:s30], [sflag:$0x2] =	stream.linear.gather [spmem:s23], $0x4000, $0x38;
	[tilespmem:$0x1FF20] =	vst v63  }
0xc1: {  	_ =	swait.ge [sflag:s31], $0x4000  }
0xc2: {  	[sflag:s31] =	ssyncset.done $0x0  }
0xc3: {  	s8 =	rddreg [dreg:$0xa];
	[sflag:s31] =	ssyncadd.s32 $0xFFFFC000  }
0xc4: {  	[hbm4b:s8+s2] =	stream.linear.scatter [tilespmem:s30], [sflag:$0x2], $0x4000, $0x38;
	[tilespmem:$0x1FF20] =	vst v63  }
0xc5: {  	_ =	swait.ge [sflag:s31], $0x4000  }
0xc6: {  	[sflag:s31] =	ssyncset.done $0x0  }
0xc7: {  	[sflag:s31] =	ssyncadd.s32 $0xFFFFC000  }
0xc8: {  	[tilespmem:s12], [sflag:$0x2] =	stream.linear.gather [spmem:s24], $0x800, $0x38;
	[tilespmem:$0x1FF20] =	vst v63  }
0xc9: {  	_ =	swait.ge [sflag:s31], $0x800  }
0xca: {  	[sflag:s31] =	ssyncset.done $0x0  }
0xcb: {  	[sflag:s31] =	ssyncadd.s32 $0xFFFFF800  }
0xcc: {  	[hbm4b:s15+s2] =	stream.linear.scatter [tilespmem:s12], [sflag:$0x2], $0x800, $0x38;
	[tilespmem:$0x1FF20] =	vst v63  }
0xcd: {  	_ =	swait.ge [sflag:s31], $0x800  }
0xce: {  	[sflag:s31] =	ssyncset.done $0x0  }
0xcf: {  	[sflag:s31] =	ssyncadd.s32 $0xFFFFF800  }
0xd0: {  	[tilespmem:s30], [sflag:$0x2] =	stream.linear.gather [spmem:s25], $0x3900, $0x38;
	[tilespmem:$0x1FF20] =	vst v63  }
0xd1: {  	_ =	swait.ge [sflag:s31], $0x3900  }
0xd2: {  	[sflag:s31] =	ssyncset.done $0x0  }
0xd3: {  	s9 =	rddreg [dreg:$0xb];
	[sflag:s31] =	ssyncadd.s32 $0xFFFFC700  }
0xd4: {  	[hbm4b:s9+s2] =	stream.linear.scatter [tilespmem:s30], [sflag:$0x2], $0x3900, $0x38;
	[tilespmem:$0x1FF20] =	vst v63  }
0xd5: {  	_ =	swait.ge [sflag:s31], $0x3900  }
0xd6: {  	[sflag:s31] =	ssyncset.done $0x0  }
0xd7: {  	[sflag:s31] =	ssyncadd.s32 $0xFFFFC700  }
0xd8: {  	[tilespmem:s12], [sflag:$0x2] =	stream.linear.gather [spmem:s26], $0x720, $0x38;
	[tilespmem:$0x1FF20] =	vst v63  }
0xd9: {  	s5 =	sadd.s32 $0x1, s5;
	_ =	swait.ge [sflag:s31], $0x720  }
0xda: {  	p0 =	sne.s32 s5, s29;
	[sflag:s31] =	ssyncset.done $0x0  }
.Ltmp3:
0xdb: {  	[sflag:s31] =	ssyncadd.s32 $0xFFFFF8E0;
	(pc) =	sbr.rel @p0 .LBB2_1-.Ltmp3, $4  }
0xdc: {  	[hbm4b:s16+s2] =	stream.linear.scatter [tilespmem:s12], [sflag:$0x2], $0x720, $0x38;
	[tilespmem:$0x1FF20] =	vst v63  }
0xdd: {  	_ =	swait.ge [sflag:s31], $0x720  }
0xde: {  	[sflag:s31] =	ssyncset.done $0x0  }
0xdf: {  	[sflag:s31] =	ssyncadd.s32 $0xFFFFF8E0  }
0xe0: {  	_ =	sfence.sel $0x180000  }
0xe1: {  	[bflag:$0x0] =	sbarrier.arrive $0xFFFF  }
0xe2: {  	_ =	strace $0x90000047  }
0xe3: {  	s0 =	stileid.u32;
	[bflag:$0x2] =	sbarrier.arrive $0xFFFF  }
0xe4: {  	p0 =	sne.s32 s0, $0x0;
	s0 =	rddreg [dreg:$0x5]  }
0xe5: {  	s0 =	sadd.s32 @!p0 $0x100000, s0  }
0xe6: {  	[sflag:s0] =	ssyncadd.tile.s32 @!p0 $0x1;
	_ =	shalt  }
.Lfunc_end2:
_tile_overlayer_lowered:
.L_overlay_start_2:
0xe7: {  	(tag) =	ssettag $0x2  }
0xe8: {  	s0 =	rddreg [dreg:$0x0];
	s2 =	stileid.u32  }
0xe9: {  	s1 =	rddreg [dreg:$0x1];
	p0 =	sne.s32 s2, $0x0  }
0xea: {  	s3 =	rddreg [dreg:$0x2];
	[bflag:$0x3] =	sbarrier.arrive $0xFFFF;
	s2 =	simm.s32 @!p0 $0x1C02  }
0xeb: {  	[timem:s3], [sflag:s2] =	dma.local @!p0 [hbm:s0], s1  }
0xec: {  	s0 =	simm.s32 @!p0 $0x2  }
0xed: {  	_ =	swait.ge @!p0 [sflag:s0], s1  }
0xee: {  	s1 =	ssub.s32 @!p0 $0x0, s1;
	[sflag:s0] =	ssyncset.done @!p0 $0x0  }
0xef: {  	[sflag:s0] =	ssyncadd.s32 @!p0 s1  }
0xf0: {  	[bflag:$0x3] =	sbarrier.arrive $0xFFFF  }
0xf1: {  	_ =	shalt  }

</sc_bundles>
